<compile_context>
chip_gen: v7x
topology: tpu7x:2x2x1
jax: 0.10.2.dev20260603
libtpu: 0.0.44.dev20260713+nightly
codegen_flags: <defaults>
</compile_context>

<pallas_src>
import functools

import jax
import jax.numpy as jnp
from jax import lax
from jax.experimental import pallas as pl
from jax.experimental.pallas import tpu as pltpu
from jax.experimental.pallas import tpu_sc as plsc

N = 10000
E = 320000
D = 128
H = 40
HP = 48
NPAD = 10240
NC = 2
NS = 16
NW = NC * NS
CHUNK = 128
CW = (E + NW * CHUNK - 1) // (NW * CHUNK)
CW = CW + (CW % 2)
EPAD = NW * CW * CHUNK
RPT = NPAD // NS

_mesh = plsc.VectorSubcoreMesh(core_axis_name="c", subcore_axis_name="s")
_sc_params = pltpu.CompilerParams(use_tc_tiling_on_sc=False)


@functools.partial(
    pl.kernel,
    out_type=jax.ShapeDtypeStruct((NC, NPAD, 128), jnp.float32),
    mesh=_mesh,
    compiler_params=_sc_params,
    scratch_types=[
        pltpu.VMEM((CW, CHUNK), jnp.int32),
        pltpu.VMEM((CHUNK, 8), jnp.float32),
        pltpu.VMEM_SHARED((NPAD, 8), jnp.float32),
        pltpu.SemaphoreType.DMA,
    ],
)
def _deg_kernel(dst_hbm, zeros_hbm, ones_hbm, out_hbm, didx, ones_v, acc, sem):
    cid = lax.axis_index("c")
    sid = lax.axis_index("s")
    wid = sid * NC + cid
    pltpu.sync_copy(dst_hbm.at[pl.ds(wid * CW, CW)], didx)
    pltpu.sync_copy(ones_hbm, ones_v)
    pltpu.sync_copy(zeros_hbm.at[pl.ds(sid * RPT, RPT)],
                    acc.at[pl.ds(sid * RPT, RPT)])
    plsc.subcore_barrier()

    def batch(bi, carry):
        def fire(k, c):
            pltpu.async_copy(ones_v, acc.at[didx.at[bi * 16 + k]], sem,
                             add=True)
            return c

        lax.fori_loop(0, 16, fire, 0)

        def drain(k, c):
            pltpu.make_async_copy(ones_v, acc.at[didx.at[0]], sem).wait()
            return c

        lax.fori_loop(0, 16, drain, 0)
        return carry

    lax.fori_loop(0, CW // 16, batch, 0)
    plsc.subcore_barrier()
    pltpu.sync_copy(acc.at[pl.ds(sid * RPT, RPT)],
                    out_hbm.at[cid, pl.ds(sid * RPT, RPT), pl.ds(0, 8)])


@functools.partial(
    pl.kernel,
    out_type=jax.ShapeDtypeStruct((NC, NPAD, 128), jnp.float32),
    mesh=_mesh,
    compiler_params=_sc_params,
    scratch_types=[
        pltpu.VMEM((CW, CHUNK), jnp.int32),
        pltpu.VMEM((CW, CHUNK), jnp.int32),
        [pltpu.VMEM((CHUNK, HP), jnp.float32) for _ in range(4)],
        pltpu.VMEM_SHARED((NPAD, HP), jnp.float32),
        pltpu.VMEM_SHARED((NPAD, HP), jnp.float32),
        [pltpu.SemaphoreType.DMA for _ in range(4)],
    ],
)
def _agg_kernel(src_hbm, dst_hbm, feat_hbm, zeros_hbm, out_hbm,
                sidx, didx, rows, feat_sh, acc, gsems):
    cid = lax.axis_index("c")
    sid = lax.axis_index("s")
    wid = sid * NC + cid
    pltpu.sync_copy(src_hbm.at[pl.ds(wid * CW, CW)], sidx)
    pltpu.sync_copy(dst_hbm.at[pl.ds(wid * CW, CW)], didx)
    pltpu.sync_copy(feat_hbm.at[pl.ds(sid * RPT, RPT), pl.ds(0, HP)],
                    feat_sh.at[pl.ds(sid * RPT, RPT)])

    @pl.when(cid == 0)
    def _():
        pltpu.sync_copy(feat_hbm.at[pl.ds(sid * RPT, RPT), pl.ds(0, HP)],
                        acc.at[pl.ds(sid * RPT, RPT)])

    @pl.when(cid != 0)
    def _():
        pltpu.sync_copy(zeros_hbm.at[pl.ds(sid * RPT, RPT)],
                        acc.at[pl.ds(sid * RPT, RPT)])

    plsc.subcore_barrier()

    for b in range(4):
        pltpu.async_copy(feat_sh.at[sidx.at[b]], rows[b], gsems[b])

    def body(i, carry):
        for b in range(4):
            j = 4 * i + b
            pltpu.make_async_copy(feat_sh.at[sidx.at[j]], rows[b],
                                  gsems[b]).wait()
            pltpu.sync_copy(rows[b], acc.at[didx.at[j]], add=True)

            @pl.when(j + 4 < CW)
            def _():
                pltpu.async_copy(feat_sh.at[sidx.at[j + 4]], rows[b], gsems[b])

        return carry

    lax.fori_loop(0, CW // 4, body, 0)
    plsc.subcore_barrier()
    pltpu.sync_copy(acc.at[pl.ds(sid * RPT, RPT)],
                    out_hbm.at[cid, pl.ds(sid * RPT, RPT), pl.ds(0, HP)])


def _lin_body(x_ref, w_ref, degp_ref, h_ref, dinv_ref):
    h = jnp.dot(x_ref[...], w_ref[...], preferred_element_type=jnp.float32)
    deg = degp_ref[0, :, 0:1] + degp_ref[1, :, 0:1] + 1.0
    dinv = lax.rsqrt(deg)
    rb = h.shape[0]
    h_ref[...] = jnp.concatenate(
        [h * dinv, jnp.zeros((rb, 128 - HP), jnp.float32)], axis=1)
    dinv_ref[...] = dinv


def _gn_body(aggp_ref, dinv_ref, bsh_ref, gnw_ref, gnb_ref, gms_ref,
             hp_ref):
    m = (lax.broadcasted_iota(jnp.int32, (NPAD, 1), 0) < N).astype(jnp.float32)
    dinv = dinv_ref[...]
    a0 = aggp_ref[0, :, 0:HP]
    a1 = aggp_ref[1, :, 0:HP]
    z = (dinv * (a0 + a1) + bsh_ref[...]) * m
    mean = jnp.sum(z, axis=0, keepdims=True) * (1.0 / N)
    c = (z - mean * gms_ref[...]) * m
    var = jnp.sum(c * c, axis=0, keepdims=True) * (1.0 / N)
    hidden = gnw_ref[...] * (c * lax.rsqrt(var + 1e-5)) + gnb_ref[...]
    hp_ref[...] = jnp.concatenate(
        [jnp.maximum(hidden, 0.0) * dinv * m,
         jnp.zeros((NPAD, 128 - HP), jnp.float32)], axis=1)


def _heads_body(aggp_ref, dinv_ref, wm_ref, bm_ref, wd_ref, bd_ref,
                wp_ref, bp_ref, mo_ref, do_ref, po_ref):
    z = dinv_ref[...] * (aggp_ref[0, :, 0:HP] + aggp_ref[1, :, 0:HP])
    ym = jnp.dot(z, wm_ref[...], preferred_element_type=jnp.float32) + bm_ref[...]
    mo_ref[...] = jnp.clip(jnp.exp(ym), 1e-5, 1e6)
    yd = jnp.dot(z, wd_ref[...], preferred_element_type=jnp.float32) + bd_ref[...]
    sp = jnp.maximum(yd, 0.0) + jnp.log1p(jnp.exp(-jnp.abs(yd)))
    do_ref[...] = jnp.clip(sp, 1e-4, 1e4)
    yp = jnp.dot(z, wp_ref[...], preferred_element_type=jnp.float32) + bp_ref[...]
    po_ref[...] = 1.0 / (1.0 + jnp.exp(-yp))


def kernel(x, adj, W_share, b_share, gn_weight, gn_bias, gn_mean_scale,
           W_mean, b_mean, W_disp, b_disp, W_pi, b_pi):
    f32 = jnp.float32
    xp = jnp.zeros((NPAD, D), f32).at[:N].set(x)
    wsp = jnp.pad(W_share, ((0, 0), (0, HP - H)))
    bshp = jnp.pad(b_share, (0, HP - H)).reshape(1, HP)
    gnwp = jnp.pad(gn_weight, (0, HP - H)).reshape(1, HP)
    gnbp = jnp.pad(gn_bias, (0, HP - H)).reshape(1, HP)
    gmsp = jnp.pad(gn_mean_scale, (0, HP - H)).reshape(1, HP)
    wmp = jnp.pad(W_mean, ((0, HP - H), (0, 0)))
    wdp = jnp.pad(W_disp, ((0, HP - H), (0, 0)))
    wpp = jnp.pad(W_pi, ((0, HP - H), (0, 0)))
    bm2 = b_mean.reshape(1, D)
    bd2 = b_disp.reshape(1, D)
    bp2 = b_pi.reshape(1, D)
    npadding = EPAD - E
    ii = jnp.arange(npadding, dtype=jnp.int32)
    src2d = jnp.concatenate([adj[0], N + (ii % 16)]).reshape(EPAD // CHUNK, CHUNK)
    dst2d = jnp.concatenate([adj[1], N + (ii % 16)]).reshape(EPAD // CHUNK, CHUNK)
    zeros48 = jnp.zeros((NPAD, HP), f32)
    zeros8 = jnp.zeros((NPAD, 8), f32)
    ones8 = jnp.ones((CHUNK, 8), f32)

    degp = _deg_kernel(dst2d, zeros8, ones8)

    RB = 1024
    h1p, dinv = pl.pallas_call(
        _lin_body,
        grid=(NPAD // RB,),
        in_specs=[
            pl.BlockSpec((RB, D), lambda i: (i, 0)),
            pl.BlockSpec((D, HP), lambda i: (0, 0)),
            pl.BlockSpec((NC, RB, 128), lambda i: (0, i, 0)),
        ],
        out_specs=[
            pl.BlockSpec((RB, 128), lambda i: (i, 0)),
            pl.BlockSpec((RB, 1), lambda i: (i, 0)),
        ],
        out_shape=[
            jax.ShapeDtypeStruct((NPAD, 128), f32),
            jax.ShapeDtypeStruct((NPAD, 1), f32),
        ],
    )(xp, wsp, degp)

    agg1p = _agg_kernel(src2d, dst2d, h1p, zeros48)

    hp = pl.pallas_call(
        _gn_body,
        out_shape=jax.ShapeDtypeStruct((NPAD, 128), f32),
        compiler_params=pltpu.CompilerParams(
            vmem_limit_bytes=100 * 1024 * 1024),
    )(agg1p, dinv, bshp, gnwp, gnbp, gmsp)

    agg2p = _agg_kernel(src2d, dst2d, hp, zeros48)

    RB6 = 1000
    mean_o, disp_o, pi_o = pl.pallas_call(
        _heads_body,
        grid=(N // RB6,),
        in_specs=[
            pl.BlockSpec((NC, RB6, 128), lambda i: (0, i, 0)),
            pl.BlockSpec((RB6, 1), lambda i: (i, 0)),
            pl.BlockSpec((HP, D), lambda i: (0, 0)),
            pl.BlockSpec((1, D), lambda i: (0, 0)),
            pl.BlockSpec((HP, D), lambda i: (0, 0)),
            pl.BlockSpec((1, D), lambda i: (0, 0)),
            pl.BlockSpec((HP, D), lambda i: (0, 0)),
            pl.BlockSpec((1, D), lambda i: (0, 0)),
        ],
        out_specs=[
            pl.BlockSpec((RB6, D), lambda i: (i, 0)),
            pl.BlockSpec((RB6, D), lambda i: (i, 0)),
            pl.BlockSpec((RB6, D), lambda i: (i, 0)),
        ],
        out_shape=[
            jax.ShapeDtypeStruct((N, D), f32),
            jax.ShapeDtypeStruct((N, D), f32),
            jax.ShapeDtypeStruct((N, D), f32),
        ],
    )(agg2p, dinv, wmp, bm2, wdp, bd2, wpp, bp2)

    return (mean_o, disp_o, pi_o)

# --- scband reference (transcript-rebuilt; emitter-appended) ---
"""Pipeline reference for scband-zinbgae-27118423507715 (READ-ONLY COPY).

The authoritative reference and input builder live on the scoring server;
editing this copy changes nothing except your own understanding.
"""

import jax, jax.numpy as jnp
import numpy as np

N = 10000
E = 320000
D = 128
H = 40


def _glorot(k, shape):
    lim = float(np.sqrt(6.0 / (shape[0] + shape[1])))
    return jax.random.uniform(k, shape, jnp.float32, -lim, lim)


def setup_inputs(seed: int = 0) -> dict:
    key = jax.random.key(seed)
    ks = jax.random.split(key, 8)
    x = jax.random.normal(ks[0], (N, D), dtype=jnp.float32)
    adj = jax.random.randint(ks[1], (2, E), 0, N, dtype=jnp.int32)
    W_share = _glorot(ks[2], (D, H))
    b_share = jnp.zeros((H,), jnp.float32)
    gn_weight = jnp.ones((H,), jnp.float32)
    gn_bias = jnp.zeros((H,), jnp.float32)
    gn_mean_scale = jnp.ones((H,), jnp.float32)
    W_mean = _glorot(ks[3], (H, D))
    b_mean = jnp.zeros((D,), jnp.float32)
    W_disp = _glorot(ks[4], (H, D))
    b_disp = jnp.zeros((D,), jnp.float32)
    W_pi = _glorot(ks[5], (H, D))
    b_pi = jnp.zeros((D,), jnp.float32)
    return {"x": x, "adj": adj, "W_share": W_share, "b_share": b_share,
            "gn_weight": gn_weight, "gn_bias": gn_bias, "gn_mean_scale": gn_mean_scale,
            "W_mean": W_mean, "b_mean": b_mean, "W_disp": W_disp, "b_disp": b_disp,
            "W_pi": W_pi, "b_pi": b_pi}


def gcn_conv(x, adj, W, b):
    # PyG GCNConv: linear transform, add self-loops, sym-normalize, scatter-add aggregate, add bias
    h = x @ W
    n = x.shape[0]
    loop = jnp.arange(n, dtype=adj.dtype)
    src = jnp.concatenate([adj[0], loop])
    dst = jnp.concatenate([adj[1], loop])
    ones = jnp.ones((src.shape[0],), jnp.float32)
    deg = jnp.zeros((n,), jnp.float32).at[dst].add(ones)
    dinv = jnp.where(deg > 0.0, jax.lax.rsqrt(deg), 0.0)
    norm = dinv[src] * dinv[dst]
    msg = h[src] * norm[:, None]
    out = jnp.zeros((n, h.shape[1]), jnp.float32).at[dst].add(msg)
    return out + b


def graph_norm(x, weight, bias, mean_scale, eps=1e-5):
    # PyG GraphNorm, single graph: mean over nodes with learnable mean_scale
    mean = jnp.mean(x, axis=0, keepdims=True)
    out = x - mean * mean_scale
    var = jnp.mean(out * out, axis=0, keepdims=True)
    out = out / jnp.sqrt(var + eps)
    return weight * out + bias


def reference(x, adj, W_share, b_share, gn_weight, gn_bias, gn_mean_scale,
              W_mean, b_mean, W_disp, b_disp, W_pi, b_pi):
    hidden = jax.nn.relu(graph_norm(gcn_conv(x, adj, W_share, b_share),
                                    gn_weight, gn_bias, gn_mean_scale))
    # dropout is identity in eval mode
    _mean = jnp.clip(jnp.exp(gcn_conv(hidden, adj, W_mean, b_mean)), 1e-5, 1e6)
    _disp = jnp.clip(jax.nn.softplus(gcn_conv(hidden, adj, W_disp, b_disp)), 1e-4, 1e4)
    _pi = jax.nn.sigmoid(gcn_conv(hidden, adj, W_pi, b_pi))
    return (_mean, _disp, _pi)

if __name__ == "__main__":
    import jax
    _d = setup_inputs()
    print(jax.jit(kernel)(*tuple(_d.values())))

</pallas_src>

<mosaic_0001>
#map = affine_map<(d0, d1) -> (0, 0)>
#map1 = affine_map<(d0, d1) -> (0, 0, 0)>
module attributes {stable_mosaic.version = 14 : i64} {
  func.func @_agg_kernel(%arg0: i32, %arg1: i32, %arg2: memref<2560x128xi32, #tpu.memory_space<hbm>>, %arg3: memref<2560x128xi32, #tpu.memory_space<hbm>>, %arg4: memref<10240x128xf32, #tpu.memory_space<hbm>>, %arg5: memref<10240x48xf32, #tpu.memory_space<hbm>>, %arg6: memref<2x10240x128xf32, #tpu.memory_space<hbm>>, %arg7: memref<80x128xi32, #tpu.memory_space<vmem>>, %arg8: memref<80x128xi32, #tpu.memory_space<vmem>>, %arg9: memref<128x48xf32, #tpu.memory_space<vmem>>, %arg10: memref<128x48xf32, #tpu.memory_space<vmem>>, %arg11: memref<128x48xf32, #tpu.memory_space<vmem>>, %arg12: memref<128x48xf32, #tpu.memory_space<vmem>>, %arg13: memref<10240x48xf32, #tpu.memory_space<vmem_shared>>, %arg14: memref<10240x48xf32, #tpu.memory_space<vmem_shared>>, %arg15: memref<!tpu.dma_semaphore, #tpu.memory_space<semaphore_mem>>, %arg16: memref<!tpu.dma_semaphore, #tpu.memory_space<semaphore_mem>>, %arg17: memref<!tpu.dma_semaphore, #tpu.memory_space<semaphore_mem>>, %arg18: memref<!tpu.dma_semaphore, #tpu.memory_space<semaphore_mem>>) attributes {dimension_semantics = [#tpu.dimension_semantics<core_parallel>, #tpu.dimension_semantics<subcore_parallel>], iteration_bounds = array<i64: 2, 16>, scalar_prefetch = 0 : i64, scratch_operands = 12 : i64, tpu.core_type = #tpu.core_type<sc_vector_subcore>, window_params = [{transform_indices = #map}, {transform_indices = #map}, {transform_indices = #map}, {transform_indices = #map}, {transform_indices = #map1}]} {
    %mul3A = arith.constant 2 : i32
    %mul3A_0 = arith.muli %arg1, %mul3A : i32
    %add3A = arith.addi %mul3A_0, %arg0 : i32
    %mul3A_1 = arith.constant 80 : i32
    %mul3A_2 = arith.muli %add3A, %mul3A_1 : i32
    "tpu.region"() ({
      %run_scoped3A = tpu.sem_alloc : memref<!tpu.dma_semaphore, #tpu.memory_space<semaphore_mem>>
      %dma_start3A_52 = arith.constant 0 : i32
      %dma_start3A_53 = tpu.memref_slice %arg2[%mul3A_2, %dma_start3A_52] : memref<2560x128xi32, #tpu.memory_space<hbm>> -> memref<80x128xi32, #tpu.memory_space<hbm>>
      %dma_start3A_54 = arith.constant 0 : i32
      %dma_start3A_55 = tpu.memref_slice %arg2[%mul3A_2, %dma_start3A_54] : memref<2560x128xi32, #tpu.memory_space<hbm>> -> memref<80x128xi32, #tpu.memory_space<hbm>>
      tpu.enqueue_dma source(%dma_start3A_55 : memref<80x128xi32, #tpu.memory_space<hbm>>) target(%arg7 : memref<80x128xi32, #tpu.memory_space<vmem>>) target_semaphore(%run_scoped3A : memref<!tpu.dma_semaphore, #tpu.memory_space<semaphore_mem>>)
      %dma_wait3A = arith.constant 0 : i32
      %dma_wait3A_56 = tpu.memref_slice %arg2[%mul3A_2, %dma_wait3A] : memref<2560x128xi32, #tpu.memory_space<hbm>> -> memref<80x128xi32, #tpu.memory_space<hbm>>
      %dma_wait3A_57 = arith.constant 0 : i32
      %dma_wait3A_58 = tpu.memref_slice %arg2[%mul3A_2, %dma_wait3A_57] : memref<2560x128xi32, #tpu.memory_space<hbm>> -> memref<80x128xi32, #tpu.memory_space<hbm>>
      tpu.wait_dma2 semaphore(%run_scoped3A : memref<!tpu.dma_semaphore, #tpu.memory_space<semaphore_mem>>) src(%dma_wait3A_58 : memref<80x128xi32, #tpu.memory_space<hbm>>) dst(%arg7 : memref<80x128xi32, #tpu.memory_space<vmem>>)
      tpu.yield
    }) : () -> ()
    %mul3A_3 = arith.constant 80 : i32
    %mul3A_4 = arith.muli %add3A, %mul3A_3 : i32
    "tpu.region"() ({
      %run_scoped3A = tpu.sem_alloc : memref<!tpu.dma_semaphore, #tpu.memory_space<semaphore_mem>>
      %dma_start3A_52 = arith.constant 0 : i32
      %dma_start3A_53 = tpu.memref_slice %arg3[%mul3A_4, %dma_start3A_52] : memref<2560x128xi32, #tpu.memory_space<hbm>> -> memref<80x128xi32, #tpu.memory_space<hbm>>
      %dma_start3A_54 = arith.constant 0 : i32
      %dma_start3A_55 = tpu.memref_slice %arg3[%mul3A_4, %dma_start3A_54] : memref<2560x128xi32, #tpu.memory_space<hbm>> -> memref<80x128xi32, #tpu.memory_space<hbm>>
      tpu.enqueue_dma source(%dma_start3A_55 : memref<80x128xi32, #tpu.memory_space<hbm>>) target(%arg8 : memref<80x128xi32, #tpu.memory_space<vmem>>) target_semaphore(%run_scoped3A : memref<!tpu.dma_semaphore, #tpu.memory_space<semaphore_mem>>)
      %dma_wait3A = arith.constant 0 : i32
      %dma_wait3A_56 = tpu.memref_slice %arg3[%mul3A_4, %dma_wait3A] : memref<2560x128xi32, #tpu.memory_space<hbm>> -> memref<80x128xi32, #tpu.memory_space<hbm>>
      %dma_wait3A_57 = arith.constant 0 : i32
      %dma_wait3A_58 = tpu.memref_slice %arg3[%mul3A_4, %dma_wait3A_57] : memref<2560x128xi32, #tpu.memory_space<hbm>> -> memref<80x128xi32, #tpu.memory_space<hbm>>
      tpu.wait_dma2 semaphore(%run_scoped3A : memref<!tpu.dma_semaphore, #tpu.memory_space<semaphore_mem>>) src(%dma_wait3A_58 : memref<80x128xi32, #tpu.memory_space<hbm>>) dst(%arg8 : memref<80x128xi32, #tpu.memory_space<vmem>>)
      tpu.yield
    }) : () -> ()
    %mul3A_5 = arith.constant 640 : i32
    %mul3A_6 = arith.muli %arg1, %mul3A_5 : i32
    %mul3A_7 = arith.constant 640 : i32
    %mul3A_8 = arith.muli %arg1, %mul3A_7 : i32
    "tpu.region"() ({
      %run_scoped3A = tpu.sem_alloc : memref<!tpu.dma_semaphore, #tpu.memory_space<semaphore_mem>>
      %dma_start3A_52 = arith.constant 0 : i32
      %dma_start3A_53 = tpu.memref_slice %arg13[%mul3A_8, %dma_start3A_52] : memref<10240x48xf32, #tpu.memory_space<vmem_shared>> -> memref<640x48xf32, #tpu.memory_space<vmem_shared>>
      %dma_start3A_54 = arith.constant 0 : i32
      %dma_start3A_55 = tpu.memref_slice %arg4[%mul3A_6, %dma_start3A_54] : memref<10240x128xf32, #tpu.memory_space<hbm>> -> memref<640x48xf32, #tpu.memory_space<hbm>>
      tpu.enqueue_dma source(%dma_start3A_55 : memref<640x48xf32, #tpu.memory_space<hbm>>) target(%dma_start3A_53 : memref<640x48xf32, #tpu.memory_space<vmem_shared>>) target_semaphore(%run_scoped3A : memref<!tpu.dma_semaphore, #tpu.memory_space<semaphore_mem>>)
      %dma_wait3A = arith.constant 0 : i32
      %dma_wait3A_56 = tpu.memref_slice %arg13[%mul3A_8, %dma_wait3A] : memref<10240x48xf32, #tpu.memory_space<vmem_shared>> -> memref<640x48xf32, #tpu.memory_space<vmem_shared>>
      %dma_wait3A_57 = arith.constant 0 : i32
      %dma_wait3A_58 = tpu.memref_slice %arg4[%mul3A_6, %dma_wait3A_57] : memref<10240x128xf32, #tpu.memory_space<hbm>> -> memref<640x48xf32, #tpu.memory_space<hbm>>
      tpu.wait_dma2 semaphore(%run_scoped3A : memref<!tpu.dma_semaphore, #tpu.memory_space<semaphore_mem>>) src(%dma_wait3A_58 : memref<640x48xf32, #tpu.memory_space<hbm>>) dst(%dma_wait3A_56 : memref<640x48xf32, #tpu.memory_space<vmem_shared>>)
      tpu.yield
    }) : () -> ()
    %eq3A = arith.constant 0 : i32
    %eq3A_9 = arith.cmpi eq, %arg0, %eq3A : i32
    %convert_element_type3A = arith.extui %eq3A_9 : i1 to i32
    %cond3A = arith.constant 0 : i32
    %cond3A_10 = arith.cmpi ne, %convert_element_type3A, %cond3A : i32
    scf.if %cond3A_10 {
      %mul3A_52 = arith.constant 640 : i32
      %mul3A_53 = arith.muli %arg1, %mul3A_52 : i32
      %mul3A_54 = arith.constant 640 : i32
      %mul3A_55 = arith.muli %arg1, %mul3A_54 : i32
      "tpu.region"() ({
        %run_scoped3A = tpu.sem_alloc : memref<!tpu.dma_semaphore, #tpu.memory_space<semaphore_mem>>
        %dma_start3A_56 = arith.constant 0 : i32
        %dma_start3A_57 = tpu.memref_slice %arg14[%mul3A_55, %dma_start3A_56] : memref<10240x48xf32, #tpu.memory_space<vmem_shared>> -> memref<640x48xf32, #tpu.memory_space<vmem_shared>>
        %dma_start3A_58 = arith.constant 0 : i32
        %dma_start3A_59 = tpu.memref_slice %arg4[%mul3A_53, %dma_start3A_58] : memref<10240x128xf32, #tpu.memory_space<hbm>> -> memref<640x48xf32, #tpu.memory_space<hbm>>
        tpu.enqueue_dma source(%dma_start3A_59 : memref<640x48xf32, #tpu.memory_space<hbm>>) target(%dma_start3A_57 : memref<640x48xf32, #tpu.memory_space<vmem_shared>>) target_semaphore(%run_scoped3A : memref<!tpu.dma_semaphore, #tpu.memory_space<semaphore_mem>>)
        %dma_wait3A = arith.constant 0 : i32
        %dma_wait3A_60 = tpu.memref_slice %arg14[%mul3A_55, %dma_wait3A] : memref<10240x48xf32, #tpu.memory_space<vmem_shared>> -> memref<640x48xf32, #tpu.memory_space<vmem_shared>>
        %dma_wait3A_61 = arith.constant 0 : i32
        %dma_wait3A_62 = tpu.memref_slice %arg4[%mul3A_53, %dma_wait3A_61] : memref<10240x128xf32, #tpu.memory_space<hbm>> -> memref<640x48xf32, #tpu.memory_space<hbm>>
        tpu.wait_dma2 semaphore(%run_scoped3A : memref<!tpu.dma_semaphore, #tpu.memory_space<semaphore_mem>>) src(%dma_wait3A_62 : memref<640x48xf32, #tpu.memory_space<hbm>>) dst(%dma_wait3A_60 : memref<640x48xf32, #tpu.memory_space<vmem_shared>>)
        tpu.yield
      }) : () -> ()
    } else {
    }
    %ne3A = arith.constant 0 : i32
    %ne3A_11 = arith.cmpi ne, %arg0, %ne3A : i32
    %convert_element_type3A_12 = arith.extui %ne3A_11 : i1 to i32
    %cond3A_13 = arith.constant 0 : i32
    %cond3A_14 = arith.cmpi ne, %convert_element_type3A_12, %cond3A_13 : i32
    scf.if %cond3A_14 {
      %mul3A_52 = arith.constant 640 : i32
      %mul3A_53 = arith.muli %arg1, %mul3A_52 : i32
      %mul3A_54 = arith.constant 640 : i32
      %mul3A_55 = arith.muli %arg1, %mul3A_54 : i32
      "tpu.region"() ({
        %run_scoped3A = tpu.sem_alloc : memref<!tpu.dma_semaphore, #tpu.memory_space<semaphore_mem>>
        %dma_start3A_56 = arith.constant 0 : i32
        %dma_start3A_57 = tpu.memref_slice %arg14[%mul3A_55, %dma_start3A_56] : memref<10240x48xf32, #tpu.memory_space<vmem_shared>> -> memref<640x48xf32, #tpu.memory_space<vmem_shared>>
        %dma_start3A_58 = arith.constant 0 : i32
        %dma_start3A_59 = tpu.memref_slice %arg5[%mul3A_53, %dma_start3A_58] : memref<10240x48xf32, #tpu.memory_space<hbm>> -> memref<640x48xf32, #tpu.memory_space<hbm>>
        tpu.enqueue_dma source(%dma_start3A_59 : memref<640x48xf32, #tpu.memory_space<hbm>>) target(%dma_start3A_57 : memref<640x48xf32, #tpu.memory_space<vmem_shared>>) target_semaphore(%run_scoped3A : memref<!tpu.dma_semaphore, #tpu.memory_space<semaphore_mem>>)
        %dma_wait3A = arith.constant 0 : i32
        %dma_wait3A_60 = tpu.memref_slice %arg14[%mul3A_55, %dma_wait3A] : memref<10240x48xf32, #tpu.memory_space<vmem_shared>> -> memref<640x48xf32, #tpu.memory_space<vmem_shared>>
        %dma_wait3A_61 = arith.constant 0 : i32
        %dma_wait3A_62 = tpu.memref_slice %arg5[%mul3A_53, %dma_wait3A_61] : memref<10240x48xf32, #tpu.memory_space<hbm>> -> memref<640x48xf32, #tpu.memory_space<hbm>>
        tpu.wait_dma2 semaphore(%run_scoped3A : memref<!tpu.dma_semaphore, #tpu.memory_space<semaphore_mem>>) src(%dma_wait3A_62 : memref<640x48xf32, #tpu.memory_space<hbm>>) dst(%dma_wait3A_60 : memref<640x48xf32, #tpu.memory_space<vmem_shared>>)
        tpu.yield
      }) : () -> ()
    } else {
    }
    %barrier3A = arith.constant 0 : index
    tpu.barrier barrier_id(%barrier3A)
    %dma_start3A = arith.constant 0 : i32
    %dma_start3A_15 = arith.constant 0 : i32
    %dma_start3A_16 = tpu.memref_slice %arg7[%dma_start3A, %dma_start3A_15] : memref<80x128xi32, #tpu.memory_space<vmem>> -> memref<1x128xi32, #tpu.memory_space<vmem>>
    %dma_start3A_17 = tpu.memref_squeeze %dma_start3A_16 : memref<1x128xi32, #tpu.memory_space<vmem>> -> memref<128xi32, #tpu.memory_space<vmem>>
    %dma_start3A_18 = arith.constant 0 : i32
    %dma_start3A_19 = arith.constant 0 : i32
    %dma_start3A_20 = tpu.memref_slice %arg13[%dma_start3A_18, %dma_start3A_19] : memref<10240x48xf32, #tpu.memory_space<vmem_shared>> -> memref<10240x48xf32, #tpu.memory_space<vmem_shared>>
    tpu.enqueue_indirect_dma source(%dma_start3A_20 : memref<10240x48xf32, #tpu.memory_space<vmem_shared>>) target(%arg9 : memref<128x48xf32, #tpu.memory_space<vmem>>) offsets(%dma_start3A_17 : memref<128xi32, #tpu.memory_space<vmem>>) semaphore(%arg15 : memref<!tpu.dma_semaphore, #tpu.memory_space<semaphore_mem>>)
    %dma_start3A_21 = arith.constant 1 : i32
    %dma_start3A_22 = arith.constant 0 : i32
    %dma_start3A_23 = tpu.memref_slice %arg7[%dma_start3A_21, %dma_start3A_22] : memref<80x128xi32, #tpu.memory_space<vmem>> -> memref<1x128xi32, #tpu.memory_space<vmem>>
    %dma_start3A_24 = tpu.memref_squeeze %dma_start3A_23 : memref<1x128xi32, #tpu.memory_space<vmem>> -> memref<128xi32, #tpu.memory_space<vmem>>
    %dma_start3A_25 = arith.constant 0 : i32
    %dma_start3A_26 = arith.constant 0 : i32
    %dma_start3A_27 = tpu.memref_slice %arg13[%dma_start3A_25, %dma_start3A_26] : memref<10240x48xf32, #tpu.memory_space<vmem_shared>> -> memref<10240x48xf32, #tpu.memory_space<vmem_shared>>
    tpu.enqueue_indirect_dma source(%dma_start3A_27 : memref<10240x48xf32, #tpu.memory_space<vmem_shared>>) target(%arg10 : memref<128x48xf32, #tpu.memory_space<vmem>>) offsets(%dma_start3A_24 : memref<128xi32, #tpu.memory_space<vmem>>) semaphore(%arg16 : memref<!tpu.dma_semaphore, #tpu.memory_space<semaphore_mem>>)
    %dma_start3A_28 = arith.constant 2 : i32
    %dma_start3A_29 = arith.constant 0 : i32
    %dma_start3A_30 = tpu.memref_slice %arg7[%dma_start3A_28, %dma_start3A_29] : memref<80x128xi32, #tpu.memory_space<vmem>> -> memref<1x128xi32, #tpu.memory_space<vmem>>
    %dma_start3A_31 = tpu.memref_squeeze %dma_start3A_30 : memref<1x128xi32, #tpu.memory_space<vmem>> -> memref<128xi32, #tpu.memory_space<vmem>>
    %dma_start3A_32 = arith.constant 0 : i32
    %dma_start3A_33 = arith.constant 0 : i32
    %dma_start3A_34 = tpu.memref_slice %arg13[%dma_start3A_32, %dma_start3A_33] : memref<10240x48xf32, #tpu.memory_space<vmem_shared>> -> memref<10240x48xf32, #tpu.memory_space<vmem_shared>>
    tpu.enqueue_indirect_dma source(%dma_start3A_34 : memref<10240x48xf32, #tpu.memory_space<vmem_shared>>) target(%arg11 : memref<128x48xf32, #tpu.memory_space<vmem>>) offsets(%dma_start3A_31 : memref<128xi32, #tpu.memory_space<vmem>>) semaphore(%arg17 : memref<!tpu.dma_semaphore, #tpu.memory_space<semaphore_mem>>)
    %dma_start3A_35 = arith.constant 3 : i32
    %dma_start3A_36 = arith.constant 0 : i32
    %dma_start3A_37 = tpu.memref_slice %arg7[%dma_start3A_35, %dma_start3A_36] : memref<80x128xi32, #tpu.memory_space<vmem>> -> memref<1x128xi32, #tpu.memory_space<vmem>>
    %dma_start3A_38 = tpu.memref_squeeze %dma_start3A_37 : memref<1x128xi32, #tpu.memory_space<vmem>> -> memref<128xi32, #tpu.memory_space<vmem>>
    %dma_start3A_39 = arith.constant 0 : i32
    %dma_start3A_40 = arith.constant 0 : i32
    %dma_start3A_41 = tpu.memref_slice %arg13[%dma_start3A_39, %dma_start3A_40] : memref<10240x48xf32, #tpu.memory_space<vmem_shared>> -> memref<10240x48xf32, #tpu.memory_space<vmem_shared>>
    tpu.enqueue_indirect_dma source(%dma_start3A_41 : memref<10240x48xf32, #tpu.memory_space<vmem_shared>>) target(%arg12 : memref<128x48xf32, #tpu.memory_space<vmem>>) offsets(%dma_start3A_38 : memref<128xi32, #tpu.memory_space<vmem>>) semaphore(%arg18 : memref<!tpu.dma_semaphore, #tpu.memory_space<semaphore_mem>>)
    %scan3A = arith.constant 0 : i32
    %scan3A_42 = arith.constant 0 : i32
    %scan3A_43 = arith.constant 20 : i32
    %scan3A_44 = arith.addi %scan3A_42, %scan3A_43 : i32
    %scan3A_45 = arith.constant 1 : i32
    scf.for %scan3A_52 = %scan3A_42 to %scan3A_44 step %scan3A_45  : i32 {
      %mul3A_53 = arith.constant 4 : i32
      %mul3A_54 = arith.muli %mul3A_53, %scan3A_52 : i32
      %add3A_55 = arith.constant 0 : i32
      %add3A_56 = arith.addi %mul3A_54, %add3A_55 : i32
      %dma_wait3A = arith.constant 0 : i32
      %dma_wait3A_57 = tpu.memref_slice %arg7[%add3A_56, %dma_wait3A] : memref<80x128xi32, #tpu.memory_space<vmem>> -> memref<1x128xi32, #tpu.memory_space<vmem>>
      %dma_wait3A_58 = tpu.memref_squeeze %dma_wait3A_57 : memref<1x128xi32, #tpu.memory_space<vmem>> -> memref<128xi32, #tpu.memory_space<vmem>>
      %dma_wait3A_59 = arith.constant 0 : i32
      %dma_wait3A_60 = arith.constant 0 : i32
      %dma_wait3A_61 = tpu.memref_slice %arg13[%dma_wait3A_59, %dma_wait3A_60] : memref<10240x48xf32, #tpu.memory_space<vmem_shared>> -> memref<10240x48xf32, #tpu.memory_space<vmem_shared>>
      tpu.wait_indirect_dma semaphore(%arg15 : memref<!tpu.dma_semaphore, #tpu.memory_space<semaphore_mem>>) src(%dma_wait3A_61 : memref<10240x48xf32, #tpu.memory_space<vmem_shared>>) dst(%arg9 : memref<128x48xf32, #tpu.memory_space<vmem>>)
      "tpu.region"() ({
        %run_scoped3A = tpu.sem_alloc : memref<!tpu.dma_semaphore, #tpu.memory_space<semaphore_mem>>
        %dma_start3A_119 = arith.constant 0 : i32
        %dma_start3A_120 = tpu.memref_slice %arg8[%add3A_56, %dma_start3A_119] : memref<80x128xi32, #tpu.memory_space<vmem>> -> memref<1x128xi32, #tpu.memory_space<vmem>>
        %dma_start3A_121 = tpu.memref_squeeze %dma_start3A_120 : memref<1x128xi32, #tpu.memory_space<vmem>> -> memref<128xi32, #tpu.memory_space<vmem>>
        %dma_start3A_122 = arith.constant 0 : i32
        %dma_start3A_123 = arith.constant 0 : i32
        %dma_start3A_124 = tpu.memref_slice %arg14[%dma_start3A_122, %dma_start3A_123] : memref<10240x48xf32, #tpu.memory_space<vmem_shared>> -> memref<10240x48xf32, #tpu.memory_space<vmem_shared>>
        tpu.enqueue_indirect_dma source(%arg9 : memref<128x48xf32, #tpu.memory_space<vmem>>) target(%dma_start3A_124 : memref<10240x48xf32, #tpu.memory_space<vmem_shared>>) offsets(%dma_start3A_121 : memref<128xi32, #tpu.memory_space<vmem>>) semaphore(%run_scoped3A : memref<!tpu.dma_semaphore, #tpu.memory_space<semaphore_mem>>) {add = true}
        %dma_wait3A_125 = arith.constant 0 : i32
        %dma_wait3A_126 = tpu.memref_slice %arg8[%add3A_56, %dma_wait3A_125] : memref<80x128xi32, #tpu.memory_space<vmem>> -> memref<1x128xi32, #tpu.memory_space<vmem>>
        %dma_wait3A_127 = tpu.memref_squeeze %dma_wait3A_126 : memref<1x128xi32, #tpu.memory_space<vmem>> -> memref<128xi32, #tpu.memory_space<vmem>>
        %dma_wait3A_128 = arith.constant 0 : i32
        %dma_wait3A_129 = arith.constant 0 : i32
        %dma_wait3A_130 = tpu.memref_slice %arg14[%dma_wait3A_128, %dma_wait3A_129] : memref<10240x48xf32, #tpu.memory_space<vmem_shared>> -> memref<10240x48xf32, #tpu.memory_space<vmem_shared>>
        tpu.wait_indirect_dma semaphore(%run_scoped3A : memref<!tpu.dma_semaphore, #tpu.memory_space<semaphore_mem>>) src(%arg9 : memref<128x48xf32, #tpu.memory_space<vmem>>) dst(%dma_wait3A_130 : memref<10240x48xf32, #tpu.memory_space<vmem_shared>>)
        tpu.yield
      }) : () -> ()
      %add3A_62 = arith.constant 4 : i32
      %add3A_63 = arith.addi %add3A_56, %add3A_62 : i32
      %lt3A = arith.constant 80 : i32
      %lt3A_64 = arith.cmpi slt, %add3A_63, %lt3A : i32
      %convert_element_type3A_65 = arith.extui %lt3A_64 : i1 to i32
      %cond3A_66 = arith.constant 0 : i32
      %cond3A_67 = arith.cmpi ne, %convert_element_type3A_65, %cond3A_66 : i32
      scf.if %cond3A_67 {
        %add3A_119 = arith.constant 4 : i32
        %add3A_120 = arith.addi %add3A_56, %add3A_119 : i32
        %dma_start3A_121 = arith.constant 0 : i32
        %dma_start3A_122 = tpu.memref_slice %arg7[%add3A_120, %dma_start3A_121] : memref<80x128xi32, #tpu.memory_space<vmem>> -> memref<1x128xi32, #tpu.memory_space<vmem>>
        %dma_start3A_123 = tpu.memref_squeeze %dma_start3A_122 : memref<1x128xi32, #tpu.memory_space<vmem>> -> memref<128xi32, #tpu.memory_space<vmem>>
        %dma_start3A_124 = arith.constant 0 : i32
        %dma_start3A_125 = arith.constant 0 : i32
        %dma_start3A_126 = tpu.memref_slice %arg13[%dma_start3A_124, %dma_start3A_125] : memref<10240x48xf32, #tpu.memory_space<vmem_shared>> -> memref<10240x48xf32, #tpu.memory_space<vmem_shared>>
        tpu.enqueue_indirect_dma source(%dma_start3A_126 : memref<10240x48xf32, #tpu.memory_space<vmem_shared>>) target(%arg9 : memref<128x48xf32, #tpu.memory_space<vmem>>) offsets(%dma_start3A_123 : memref<128xi32, #tpu.memory_space<vmem>>) semaphore(%arg15 : memref<!tpu.dma_semaphore, #tpu.memory_space<semaphore_mem>>)
      } else {
      }
      %mul3A_68 = arith.constant 4 : i32
      %mul3A_69 = arith.muli %mul3A_68, %scan3A_52 : i32
      %add3A_70 = arith.constant 1 : i32
      %add3A_71 = arith.addi %mul3A_69, %add3A_70 : i32
      %dma_wait3A_72 = arith.constant 0 : i32
      %dma_wait3A_73 = tpu.memref_slice %arg7[%add3A_71, %dma_wait3A_72] : memref<80x128xi32, #tpu.memory_space<vmem>> -> memref<1x128xi32, #tpu.memory_space<vmem>>
      %dma_wait3A_74 = tpu.memref_squeeze %dma_wait3A_73 : memref<1x128xi32, #tpu.memory_space<vmem>> -> memref<128xi32, #tpu.memory_space<vmem>>
      %dma_wait3A_75 = arith.constant 0 : i32
      %dma_wait3A_76 = arith.constant 0 : i32
      %dma_wait3A_77 = tpu.memref_slice %arg13[%dma_wait3A_75, %dma_wait3A_76] : memref<10240x48xf32, #tpu.memory_space<vmem_shared>> -> memref<10240x48xf32, #tpu.memory_space<vmem_shared>>
      tpu.wait_indirect_dma semaphore(%arg16 : memref<!tpu.dma_semaphore, #tpu.memory_space<semaphore_mem>>) src(%dma_wait3A_77 : memref<10240x48xf32, #tpu.memory_space<vmem_shared>>) dst(%arg10 : memref<128x48xf32, #tpu.memory_space<vmem>>)
      "tpu.region"() ({
        %run_scoped3A = tpu.sem_alloc : memref<!tpu.dma_semaphore, #tpu.memory_space<semaphore_mem>>
        %dma_start3A_119 = arith.constant 0 : i32
        %dma_start3A_120 = tpu.memref_slice %arg8[%add3A_71, %dma_start3A_119] : memref<80x128xi32, #tpu.memory_space<vmem>> -> memref<1x128xi32, #tpu.memory_space<vmem>>
        %dma_start3A_121 = tpu.memref_squeeze %dma_start3A_120 : memref<1x128xi32, #tpu.memory_space<vmem>> -> memref<128xi32, #tpu.memory_space<vmem>>
        %dma_start3A_122 = arith.constant 0 : i32
        %dma_start3A_123 = arith.constant 0 : i32
        %dma_start3A_124 = tpu.memref_slice %arg14[%dma_start3A_122, %dma_start3A_123] : memref<10240x48xf32, #tpu.memory_space<vmem_shared>> -> memref<10240x48xf32, #tpu.memory_space<vmem_shared>>
        tpu.enqueue_indirect_dma source(%arg10 : memref<128x48xf32, #tpu.memory_space<vmem>>) target(%dma_start3A_124 : memref<10240x48xf32, #tpu.memory_space<vmem_shared>>) offsets(%dma_start3A_121 : memref<128xi32, #tpu.memory_space<vmem>>) semaphore(%run_scoped3A : memref<!tpu.dma_semaphore, #tpu.memory_space<semaphore_mem>>) {add = true}
        %dma_wait3A_125 = arith.constant 0 : i32
        %dma_wait3A_126 = tpu.memref_slice %arg8[%add3A_71, %dma_wait3A_125] : memref<80x128xi32, #tpu.memory_space<vmem>> -> memref<1x128xi32, #tpu.memory_space<vmem>>
        %dma_wait3A_127 = tpu.memref_squeeze %dma_wait3A_126 : memref<1x128xi32, #tpu.memory_space<vmem>> -> memref<128xi32, #tpu.memory_space<vmem>>
        %dma_wait3A_128 = arith.constant 0 : i32
        %dma_wait3A_129 = arith.constant 0 : i32
        %dma_wait3A_130 = tpu.memref_slice %arg14[%dma_wait3A_128, %dma_wait3A_129] : memref<10240x48xf32, #tpu.memory_space<vmem_shared>> -> memref<10240x48xf32, #tpu.memory_space<vmem_shared>>
        tpu.wait_indirect_dma semaphore(%run_scoped3A : memref<!tpu.dma_semaphore, #tpu.memory_space<semaphore_mem>>) src(%arg10 : memref<128x48xf32, #tpu.memory_space<vmem>>) dst(%dma_wait3A_130 : memref<10240x48xf32, #tpu.memory_space<vmem_shared>>)
        tpu.yield
      }) : () -> ()
      %add3A_78 = arith.constant 4 : i32
      %add3A_79 = arith.addi %add3A_71, %add3A_78 : i32
      %lt3A_80 = arith.constant 80 : i32
      %lt3A_81 = arith.cmpi slt, %add3A_79, %lt3A_80 : i32
      %convert_element_type3A_82 = arith.extui %lt3A_81 : i1 to i32
      %cond3A_83 = arith.constant 0 : i32
      %cond3A_84 = arith.cmpi ne, %convert_element_type3A_82, %cond3A_83 : i32
      scf.if %cond3A_84 {
        %add3A_119 = arith.constant 4 : i32
        %add3A_120 = arith.addi %add3A_71, %add3A_119 : i32
        %dma_start3A_121 = arith.constant 0 : i32
        %dma_start3A_122 = tpu.memref_slice %arg7[%add3A_120, %dma_start3A_121] : memref<80x128xi32, #tpu.memory_space<vmem>> -> memref<1x128xi32, #tpu.memory_space<vmem>>
        %dma_start3A_123 = tpu.memref_squeeze %dma_start3A_122 : memref<1x128xi32, #tpu.memory_space<vmem>> -> memref<128xi32, #tpu.memory_space<vmem>>
        %dma_start3A_124 = arith.constant 0 : i32
        %dma_start3A_125 = arith.constant 0 : i32
        %dma_start3A_126 = tpu.memref_slice %arg13[%dma_start3A_124, %dma_start3A_125] : memref<10240x48xf32, #tpu.memory_space<vmem_shared>> -> memref<10240x48xf32, #tpu.memory_space<vmem_shared>>
        tpu.enqueue_indirect_dma source(%dma_start3A_126 : memref<10240x48xf32, #tpu.memory_space<vmem_shared>>) target(%arg10 : memref<128x48xf32, #tpu.memory_space<vmem>>) offsets(%dma_start3A_123 : memref<128xi32, #tpu.memory_space<vmem>>) semaphore(%arg16 : memref<!tpu.dma_semaphore, #tpu.memory_space<semaphore_mem>>)
      } else {
      }
      %mul3A_85 = arith.constant 4 : i32
      %mul3A_86 = arith.muli %mul3A_85, %scan3A_52 : i32
      %add3A_87 = arith.constant 2 : i32
      %add3A_88 = arith.addi %mul3A_86, %add3A_87 : i32
      %dma_wait3A_89 = arith.constant 0 : i32
      %dma_wait3A_90 = tpu.memref_slice %arg7[%add3A_88, %dma_wait3A_89] : memref<80x128xi32, #tpu.memory_space<vmem>> -> memref<1x128xi32, #tpu.memory_space<vmem>>
      %dma_wait3A_91 = tpu.memref_squeeze %dma_wait3A_90 : memref<1x128xi32, #tpu.memory_space<vmem>> -> memref<128xi32, #tpu.memory_space<vmem>>
      %dma_wait3A_92 = arith.constant 0 : i32
      %dma_wait3A_93 = arith.constant 0 : i32
      %dma_wait3A_94 = tpu.memref_slice %arg13[%dma_wait3A_92, %dma_wait3A_93] : memref<10240x48xf32, #tpu.memory_space<vmem_shared>> -> memref<10240x48xf32, #tpu.memory_space<vmem_shared>>
      tpu.wait_indirect_dma semaphore(%arg17 : memref<!tpu.dma_semaphore, #tpu.memory_space<semaphore_mem>>) src(%dma_wait3A_94 : memref<10240x48xf32, #tpu.memory_space<vmem_shared>>) dst(%arg11 : memref<128x48xf32, #tpu.memory_space<vmem>>)
      "tpu.region"() ({
        %run_scoped3A = tpu.sem_alloc : memref<!tpu.dma_semaphore, #tpu.memory_space<semaphore_mem>>
        %dma_start3A_119 = arith.constant 0 : i32
        %dma_start3A_120 = tpu.memref_slice %arg8[%add3A_88, %dma_start3A_119] : memref<80x128xi32, #tpu.memory_space<vmem>> -> memref<1x128xi32, #tpu.memory_space<vmem>>
        %dma_start3A_121 = tpu.memref_squeeze %dma_start3A_120 : memref<1x128xi32, #tpu.memory_space<vmem>> -> memref<128xi32, #tpu.memory_space<vmem>>
        %dma_start3A_122 = arith.constant 0 : i32
        %dma_start3A_123 = arith.constant 0 : i32
        %dma_start3A_124 = tpu.memref_slice %arg14[%dma_start3A_122, %dma_start3A_123] : memref<10240x48xf32, #tpu.memory_space<vmem_shared>> -> memref<10240x48xf32, #tpu.memory_space<vmem_shared>>
        tpu.enqueue_indirect_dma source(%arg11 : memref<128x48xf32, #tpu.memory_space<vmem>>) target(%dma_start3A_124 : memref<10240x48xf32, #tpu.memory_space<vmem_shared>>) offsets(%dma_start3A_121 : memref<128xi32, #tpu.memory_space<vmem>>) semaphore(%run_scoped3A : memref<!tpu.dma_semaphore, #tpu.memory_space<semaphore_mem>>) {add = true}
        %dma_wait3A_125 = arith.constant 0 : i32
        %dma_wait3A_126 = tpu.memref_slice %arg8[%add3A_88, %dma_wait3A_125] : memref<80x128xi32, #tpu.memory_space<vmem>> -> memref<1x128xi32, #tpu.memory_space<vmem>>
        %dma_wait3A_127 = tpu.memref_squeeze %dma_wait3A_126 : memref<1x128xi32, #tpu.memory_space<vmem>> -> memref<128xi32, #tpu.memory_space<vmem>>
        %dma_wait3A_128 = arith.constant 0 : i32
        %dma_wait3A_129 = arith.constant 0 : i32
        %dma_wait3A_130 = tpu.memref_slice %arg14[%dma_wait3A_128, %dma_wait3A_129] : memref<10240x48xf32, #tpu.memory_space<vmem_shared>> -> memref<10240x48xf32, #tpu.memory_space<vmem_shared>>
        tpu.wait_indirect_dma semaphore(%run_scoped3A : memref<!tpu.dma_semaphore, #tpu.memory_space<semaphore_mem>>) src(%arg11 : memref<128x48xf32, #tpu.memory_space<vmem>>) dst(%dma_wait3A_130 : memref<10240x48xf32, #tpu.memory_space<vmem_shared>>)
        tpu.yield
      }) : () -> ()
      %add3A_95 = arith.constant 4 : i32
      %add3A_96 = arith.addi %add3A_88, %add3A_95 : i32
      %lt3A_97 = arith.constant 80 : i32
      %lt3A_98 = arith.cmpi slt, %add3A_96, %lt3A_97 : i32
      %convert_element_type3A_99 = arith.extui %lt3A_98 : i1 to i32
      %cond3A_100 = arith.constant 0 : i32
      %cond3A_101 = arith.cmpi ne, %convert_element_type3A_99, %cond3A_100 : i32
      scf.if %cond3A_101 {
        %add3A_119 = arith.constant 4 : i32
        %add3A_120 = arith.addi %add3A_88, %add3A_119 : i32
        %dma_start3A_121 = arith.constant 0 : i32
        %dma_start3A_122 = tpu.memref_slice %arg7[%add3A_120, %dma_start3A_121] : memref<80x128xi32, #tpu.memory_space<vmem>> -> memref<1x128xi32, #tpu.memory_space<vmem>>
        %dma_start3A_123 = tpu.memref_squeeze %dma_start3A_122 : memref<1x128xi32, #tpu.memory_space<vmem>> -> memref<128xi32, #tpu.memory_space<vmem>>
        %dma_start3A_124 = arith.constant 0 : i32
        %dma_start3A_125 = arith.constant 0 : i32
        %dma_start3A_126 = tpu.memref_slice %arg13[%dma_start3A_124, %dma_start3A_125] : memref<10240x48xf32, #tpu.memory_space<vmem_shared>> -> memref<10240x48xf32, #tpu.memory_space<vmem_shared>>
        tpu.enqueue_indirect_dma source(%dma_start3A_126 : memref<10240x48xf32, #tpu.memory_space<vmem_shared>>) target(%arg11 : memref<128x48xf32, #tpu.memory_space<vmem>>) offsets(%dma_start3A_123 : memref<128xi32, #tpu.memory_space<vmem>>) semaphore(%arg17 : memref<!tpu.dma_semaphore, #tpu.memory_space<semaphore_mem>>)
      } else {
      }
      %mul3A_102 = arith.constant 4 : i32
      %mul3A_103 = arith.muli %mul3A_102, %scan3A_52 : i32
      %add3A_104 = arith.constant 3 : i32
      %add3A_105 = arith.addi %mul3A_103, %add3A_104 : i32
      %dma_wait3A_106 = arith.constant 0 : i32
      %dma_wait3A_107 = tpu.memref_slice %arg7[%add3A_105, %dma_wait3A_106] : memref<80x128xi32, #tpu.memory_space<vmem>> -> memref<1x128xi32, #tpu.memory_space<vmem>>
      %dma_wait3A_108 = tpu.memref_squeeze %dma_wait3A_107 : memref<1x128xi32, #tpu.memory_space<vmem>> -> memref<128xi32, #tpu.memory_space<vmem>>
      %dma_wait3A_109 = arith.constant 0 : i32
      %dma_wait3A_110 = arith.constant 0 : i32
      %dma_wait3A_111 = tpu.memref_slice %arg13[%dma_wait3A_109, %dma_wait3A_110] : memref<10240x48xf32, #tpu.memory_space<vmem_shared>> -> memref<10240x48xf32, #tpu.memory_space<vmem_shared>>
      tpu.wait_indirect_dma semaphore(%arg18 : memref<!tpu.dma_semaphore, #tpu.memory_space<semaphore_mem>>) src(%dma_wait3A_111 : memref<10240x48xf32, #tpu.memory_space<vmem_shared>>) dst(%arg12 : memref<128x48xf32, #tpu.memory_space<vmem>>)
      "tpu.region"() ({
        %run_scoped3A = tpu.sem_alloc : memref<!tpu.dma_semaphore, #tpu.memory_space<semaphore_mem>>
        %dma_start3A_119 = arith.constant 0 : i32
        %dma_start3A_120 = tpu.memref_slice %arg8[%add3A_105, %dma_start3A_119] : memref<80x128xi32, #tpu.memory_space<vmem>> -> memref<1x128xi32, #tpu.memory_space<vmem>>
        %dma_start3A_121 = tpu.memref_squeeze %dma_start3A_120 : memref<1x128xi32, #tpu.memory_space<vmem>> -> memref<128xi32, #tpu.memory_space<vmem>>
        %dma_start3A_122 = arith.constant 0 : i32
        %dma_start3A_123 = arith.constant 0 : i32
        %dma_start3A_124 = tpu.memref_slice %arg14[%dma_start3A_122, %dma_start3A_123] : memref<10240x48xf32, #tpu.memory_space<vmem_shared>> -> memref<10240x48xf32, #tpu.memory_space<vmem_shared>>
        tpu.enqueue_indirect_dma source(%arg12 : memref<128x48xf32, #tpu.memory_space<vmem>>) target(%dma_start3A_124 : memref<10240x48xf32, #tpu.memory_space<vmem_shared>>) offsets(%dma_start3A_121 : memref<128xi32, #tpu.memory_space<vmem>>) semaphore(%run_scoped3A : memref<!tpu.dma_semaphore, #tpu.memory_space<semaphore_mem>>) {add = true}
        %dma_wait3A_125 = arith.constant 0 : i32
        %dma_wait3A_126 = tpu.memref_slice %arg8[%add3A_105, %dma_wait3A_125] : memref<80x128xi32, #tpu.memory_space<vmem>> -> memref<1x128xi32, #tpu.memory_space<vmem>>
        %dma_wait3A_127 = tpu.memref_squeeze %dma_wait3A_126 : memref<1x128xi32, #tpu.memory_space<vmem>> -> memref<128xi32, #tpu.memory_space<vmem>>
        %dma_wait3A_128 = arith.constant 0 : i32
        %dma_wait3A_129 = arith.constant 0 : i32
        %dma_wait3A_130 = tpu.memref_slice %arg14[%dma_wait3A_128, %dma_wait3A_129] : memref<10240x48xf32, #tpu.memory_space<vmem_shared>> -> memref<10240x48xf32, #tpu.memory_space<vmem_shared>>
        tpu.wait_indirect_dma semaphore(%run_scoped3A : memref<!tpu.dma_semaphore, #tpu.memory_space<semaphore_mem>>) src(%arg12 : memref<128x48xf32, #tpu.memory_space<vmem>>) dst(%dma_wait3A_130 : memref<10240x48xf32, #tpu.memory_space<vmem_shared>>)
        tpu.yield
      }) : () -> ()
      %add3A_112 = arith.constant 4 : i32
      %add3A_113 = arith.addi %add3A_105, %add3A_112 : i32
      %lt3A_114 = arith.constant 80 : i32
      %lt3A_115 = arith.cmpi slt, %add3A_113, %lt3A_114 : i32
      %convert_element_type3A_116 = arith.extui %lt3A_115 : i1 to i32
      %cond3A_117 = arith.constant 0 : i32
      %cond3A_118 = arith.cmpi ne, %convert_element_type3A_116, %cond3A_117 : i32
      scf.if %cond3A_118 {
        %add3A_119 = arith.constant 4 : i32
        %add3A_120 = arith.addi %add3A_105, %add3A_119 : i32
        %dma_start3A_121 = arith.constant 0 : i32
        %dma_start3A_122 = tpu.memref_slice %arg7[%add3A_120, %dma_start3A_121] : memref<80x128xi32, #tpu.memory_space<vmem>> -> memref<1x128xi32, #tpu.memory_space<vmem>>
        %dma_start3A_123 = tpu.memref_squeeze %dma_start3A_122 : memref<1x128xi32, #tpu.memory_space<vmem>> -> memref<128xi32, #tpu.memory_space<vmem>>
        %dma_start3A_124 = arith.constant 0 : i32
        %dma_start3A_125 = arith.constant 0 : i32
        %dma_start3A_126 = tpu.memref_slice %arg13[%dma_start3A_124, %dma_start3A_125] : memref<10240x48xf32, #tpu.memory_space<vmem_shared>> -> memref<10240x48xf32, #tpu.memory_space<vmem_shared>>
        tpu.enqueue_indirect_dma source(%dma_start3A_126 : memref<10240x48xf32, #tpu.memory_space<vmem_shared>>) target(%arg12 : memref<128x48xf32, #tpu.memory_space<vmem>>) offsets(%dma_start3A_123 : memref<128xi32, #tpu.memory_space<vmem>>) semaphore(%arg18 : memref<!tpu.dma_semaphore, #tpu.memory_space<semaphore_mem>>)
      } else {
      }
    }
    %scan3A_46 = arith.constant 20 : i32
    %barrier3A_47 = arith.constant 0 : index
    tpu.barrier barrier_id(%barrier3A_47)
    %mul3A_48 = arith.constant 640 : i32
    %mul3A_49 = arith.muli %arg1, %mul3A_48 : i32
    %mul3A_50 = arith.constant 640 : i32
    %mul3A_51 = arith.muli %arg1, %mul3A_50 : i32
    "tpu.region"() ({
      %run_scoped3A = tpu.sem_alloc : memref<!tpu.dma_semaphore, #tpu.memory_space<semaphore_mem>>
      %dma_start3A_52 = arith.constant 0 : i32
      %dma_start3A_53 = tpu.memref_slice %arg6[%arg0, %mul3A_51, %dma_start3A_52] : memref<2x10240x128xf32, #tpu.memory_space<hbm>> -> memref<1x640x48xf32, #tpu.memory_space<hbm>>
      %dma_start3A_54 = tpu.memref_squeeze %dma_start3A_53 : memref<1x640x48xf32, #tpu.memory_space<hbm>> -> memref<640x48xf32, #tpu.memory_space<hbm>>
      %dma_start3A_55 = arith.constant 0 : i32
      %dma_start3A_56 = tpu.memref_slice %arg14[%mul3A_49, %dma_start3A_55] : memref<10240x48xf32, #tpu.memory_space<vmem_shared>> -> memref<640x48xf32, #tpu.memory_space<vmem_shared>>
      tpu.enqueue_dma source(%dma_start3A_56 : memref<640x48xf32, #tpu.memory_space<vmem_shared>>) target(%dma_start3A_54 : memref<640x48xf32, #tpu.memory_space<hbm>>) target_semaphore(%run_scoped3A : memref<!tpu.dma_semaphore, #tpu.memory_space<semaphore_mem>>)
      %dma_wait3A = arith.constant 0 : i32
      %dma_wait3A_57 = tpu.memref_slice %arg6[%arg0, %mul3A_51, %dma_wait3A] : memref<2x10240x128xf32, #tpu.memory_space<hbm>> -> memref<1x640x48xf32, #tpu.memory_space<hbm>>
      %dma_wait3A_58 = tpu.memref_squeeze %dma_wait3A_57 : memref<1x640x48xf32, #tpu.memory_space<hbm>> -> memref<640x48xf32, #tpu.memory_space<hbm>>
      %dma_wait3A_59 = arith.constant 0 : i32
      %dma_wait3A_60 = tpu.memref_slice %arg14[%mul3A_49, %dma_wait3A_59] : memref<10240x48xf32, #tpu.memory_space<vmem_shared>> -> memref<640x48xf32, #tpu.memory_space<vmem_shared>>
      tpu.wait_dma2 semaphore(%run_scoped3A : memref<!tpu.dma_semaphore, #tpu.memory_space<semaphore_mem>>) src(%dma_wait3A_60 : memref<640x48xf32, #tpu.memory_space<vmem_shared>>) dst(%dma_wait3A_58 : memref<640x48xf32, #tpu.memory_space<hbm>>)
      tpu.yield
    }) : () -> ()
    return
  }
}

#map = affine_map<(d0, d1) -> (0, 0)>
#map1 = affine_map<(d0, d1) -> (0, 0, 0)>
module attributes {stable_mosaic.version = 14 : i64} {
  func.func @_deg_kernel(%arg0: i32, %arg1: i32, %arg2: memref<2560x128xi32, #tpu.memory_space<hbm>>, %arg3: memref<10240x8xf32, #tpu.memory_space<hbm>>, %arg4: memref<128x8xf32, #tpu.memory_space<hbm>>, %arg5: memref<2x10240x128xf32, #tpu.memory_space<hbm>>, %arg6: memref<80x128xi32, #tpu.memory_space<vmem>>, %arg7: memref<128x8xf32, #tpu.memory_space<vmem>>, %arg8: memref<10240x8xf32, #tpu.memory_space<vmem_shared>>, %arg9: memref<!tpu.dma_semaphore, #tpu.memory_space<semaphore_mem>>) attributes {dimension_semantics = [#tpu.dimension_semantics<core_parallel>, #tpu.dimension_semantics<subcore_parallel>], iteration_bounds = array<i64: 2, 16>, scalar_prefetch = 0 : i64, scratch_operands = 4 : i64, tpu.core_type = #tpu.core_type<sc_vector_subcore>, window_params = [{transform_indices = #map}, {transform_indices = #map}, {transform_indices = #map}, {transform_indices = #map1}]} {
    %mul3A = arith.constant 2 : i32
    %mul3A_0 = arith.muli %arg1, %mul3A : i32
    %add3A = arith.addi %mul3A_0, %arg0 : i32
    %mul3A_1 = arith.constant 80 : i32
    %mul3A_2 = arith.muli %add3A, %mul3A_1 : i32
    "tpu.region"() ({
      %run_scoped3A = tpu.sem_alloc : memref<!tpu.dma_semaphore, #tpu.memory_space<semaphore_mem>>
      %dma_start3A = arith.constant 0 : i32
      %dma_start3A_17 = tpu.memref_slice %arg2[%mul3A_2, %dma_start3A] : memref<2560x128xi32, #tpu.memory_space<hbm>> -> memref<80x128xi32, #tpu.memory_space<hbm>>
      %dma_start3A_18 = arith.constant 0 : i32
      %dma_start3A_19 = tpu.memref_slice %arg2[%mul3A_2, %dma_start3A_18] : memref<2560x128xi32, #tpu.memory_space<hbm>> -> memref<80x128xi32, #tpu.memory_space<hbm>>
      tpu.enqueue_dma source(%dma_start3A_19 : memref<80x128xi32, #tpu.memory_space<hbm>>) target(%arg6 : memref<80x128xi32, #tpu.memory_space<vmem>>) target_semaphore(%run_scoped3A : memref<!tpu.dma_semaphore, #tpu.memory_space<semaphore_mem>>)
      %dma_wait3A = arith.constant 0 : i32
      %dma_wait3A_20 = tpu.memref_slice %arg2[%mul3A_2, %dma_wait3A] : memref<2560x128xi32, #tpu.memory_space<hbm>> -> memref<80x128xi32, #tpu.memory_space<hbm>>
      %dma_wait3A_21 = arith.constant 0 : i32
      %dma_wait3A_22 = tpu.memref_slice %arg2[%mul3A_2, %dma_wait3A_21] : memref<2560x128xi32, #tpu.memory_space<hbm>> -> memref<80x128xi32, #tpu.memory_space<hbm>>
      tpu.wait_dma2 semaphore(%run_scoped3A : memref<!tpu.dma_semaphore, #tpu.memory_space<semaphore_mem>>) src(%dma_wait3A_22 : memref<80x128xi32, #tpu.memory_space<hbm>>) dst(%arg6 : memref<80x128xi32, #tpu.memory_space<vmem>>)
      tpu.yield
    }) : () -> ()
    "tpu.region"() ({
      %run_scoped3A = tpu.sem_alloc : memref<!tpu.dma_semaphore, #tpu.memory_space<semaphore_mem>>
      tpu.enqueue_dma source(%arg4 : memref<128x8xf32, #tpu.memory_space<hbm>>) target(%arg7 : memref<128x8xf32, #tpu.memory_space<vmem>>) target_semaphore(%run_scoped3A : memref<!tpu.dma_semaphore, #tpu.memory_space<semaphore_mem>>)
      tpu.wait_dma2 semaphore(%run_scoped3A : memref<!tpu.dma_semaphore, #tpu.memory_space<semaphore_mem>>) src(%arg4 : memref<128x8xf32, #tpu.memory_space<hbm>>) dst(%arg7 : memref<128x8xf32, #tpu.memory_space<vmem>>)
      tpu.yield
    }) : () -> ()
    %mul3A_3 = arith.constant 640 : i32
    %mul3A_4 = arith.muli %arg1, %mul3A_3 : i32
    %mul3A_5 = arith.constant 640 : i32
    %mul3A_6 = arith.muli %arg1, %mul3A_5 : i32
    "tpu.region"() ({
      %run_scoped3A = tpu.sem_alloc : memref<!tpu.dma_semaphore, #tpu.memory_space<semaphore_mem>>
      %dma_start3A = arith.constant 0 : i32
      %dma_start3A_17 = tpu.memref_slice %arg8[%mul3A_6, %dma_start3A] : memref<10240x8xf32, #tpu.memory_space<vmem_shared>> -> memref<640x8xf32, #tpu.memory_space<vmem_shared>>
      %dma_start3A_18 = arith.constant 0 : i32
      %dma_start3A_19 = tpu.memref_slice %arg3[%mul3A_4, %dma_start3A_18] : memref<10240x8xf32, #tpu.memory_space<hbm>> -> memref<640x8xf32, #tpu.memory_space<hbm>>
      tpu.enqueue_dma source(%dma_start3A_19 : memref<640x8xf32, #tpu.memory_space<hbm>>) target(%dma_start3A_17 : memref<640x8xf32, #tpu.memory_space<vmem_shared>>) target_semaphore(%run_scoped3A : memref<!tpu.dma_semaphore, #tpu.memory_space<semaphore_mem>>)
      %dma_wait3A = arith.constant 0 : i32
      %dma_wait3A_20 = tpu.memref_slice %arg8[%mul3A_6, %dma_wait3A] : memref<10240x8xf32, #tpu.memory_space<vmem_shared>> -> memref<640x8xf32, #tpu.memory_space<vmem_shared>>
      %dma_wait3A_21 = arith.constant 0 : i32
      %dma_wait3A_22 = tpu.memref_slice %arg3[%mul3A_4, %dma_wait3A_21] : memref<10240x8xf32, #tpu.memory_space<hbm>> -> memref<640x8xf32, #tpu.memory_space<hbm>>
      tpu.wait_dma2 semaphore(%run_scoped3A : memref<!tpu.dma_semaphore, #tpu.memory_space<semaphore_mem>>) src(%dma_wait3A_22 : memref<640x8xf32, #tpu.memory_space<hbm>>) dst(%dma_wait3A_20 : memref<640x8xf32, #tpu.memory_space<vmem_shared>>)
      tpu.yield
    }) : () -> ()
    %barrier3A = arith.constant 0 : index
    tpu.barrier barrier_id(%barrier3A)
    %scan3A = arith.constant 0 : i32
    %scan3A_7 = arith.constant 0 : i32
    %scan3A_8 = arith.constant 5 : i32
    %scan3A_9 = arith.addi %scan3A_7, %scan3A_8 : i32
    %scan3A_10 = arith.constant 1 : i32
    scf.for %scan3A_17 = %scan3A_7 to %scan3A_9 step %scan3A_10  : i32 {
      %scan3A_18 = arith.constant 0 : i32
      %scan3A_19 = arith.constant 0 : i32
      %scan3A_20 = arith.constant 16 : i32
      %scan3A_21 = arith.addi %scan3A_19, %scan3A_20 : i32
      %scan3A_22 = arith.constant 1 : i32
      scf.for %scan3A_30 = %scan3A_19 to %scan3A_21 step %scan3A_22  : i32 {
        %mul3A_31 = arith.constant 16 : i32
        %mul3A_32 = arith.muli %scan3A_17, %mul3A_31 : i32
        %add3A_33 = arith.addi %mul3A_32, %scan3A_30 : i32
        %dma_start3A = arith.constant 0 : i32
        %dma_start3A_34 = tpu.memref_slice %arg6[%add3A_33, %dma_start3A] : memref<80x128xi32, #tpu.memory_space<vmem>> -> memref<1x128xi32, #tpu.memory_space<vmem>>
        %dma_start3A_35 = tpu.memref_squeeze %dma_start3A_34 : memref<1x128xi32, #tpu.memory_space<vmem>> -> memref<128xi32, #tpu.memory_space<vmem>>
        %dma_start3A_36 = arith.constant 0 : i32
        %dma_start3A_37 = arith.constant 0 : i32
        %dma_start3A_38 = tpu.memref_slice %arg8[%dma_start3A_36, %dma_start3A_37] : memref<10240x8xf32, #tpu.memory_space<vmem_shared>> -> memref<10240x8xf32, #tpu.memory_space<vmem_shared>>
        tpu.enqueue_indirect_dma source(%arg7 : memref<128x8xf32, #tpu.memory_space<vmem>>) target(%dma_start3A_38 : memref<10240x8xf32, #tpu.memory_space<vmem_shared>>) offsets(%dma_start3A_35 : memref<128xi32, #tpu.memory_space<vmem>>) semaphore(%arg9 : memref<!tpu.dma_semaphore, #tpu.memory_space<semaphore_mem>>) {add = true}
      }
      %scan3A_23 = arith.constant 16 : i32
      %scan3A_24 = arith.constant 0 : i32
      %scan3A_25 = arith.constant 0 : i32
      %scan3A_26 = arith.constant 16 : i32
      %scan3A_27 = arith.addi %scan3A_25, %scan3A_26 : i32
      %scan3A_28 = arith.constant 1 : i32
      scf.for %scan3A_30 = %scan3A_25 to %scan3A_27 step %scan3A_28  : i32 {
        %dma_wait3A = arith.constant 0 : i32
        %dma_wait3A_31 = arith.constant 0 : i32
        %dma_wait3A_32 = tpu.memref_slice %arg6[%dma_wait3A, %dma_wait3A_31] : memref<80x128xi32, #tpu.memory_space<vmem>> -> memref<1x128xi32, #tpu.memory_space<vmem>>
        %dma_wait3A_33 = tpu.memref_squeeze %dma_wait3A_32 : memref<1x128xi32, #tpu.memory_space<vmem>> -> memref<128xi32, #tpu.memory_space<vmem>>
        %dma_wait3A_34 = arith.constant 0 : i32
        %dma_wait3A_35 = arith.constant 0 : i32
        %dma_wait3A_36 = tpu.memref_slice %arg8[%dma_wait3A_34, %dma_wait3A_35] : memref<10240x8xf32, #tpu.memory_space<vmem_shared>> -> memref<10240x8xf32, #tpu.memory_space<vmem_shared>>
        tpu.wait_indirect_dma semaphore(%arg9 : memref<!tpu.dma_semaphore, #tpu.memory_space<semaphore_mem>>) src(%arg7 : memref<128x8xf32, #tpu.memory_space<vmem>>) dst(%dma_wait3A_36 : memref<10240x8xf32, #tpu.memory_space<vmem_shared>>)
      }
      %scan3A_29 = arith.constant 16 : i32
    }
    %scan3A_11 = arith.constant 5 : i32
    %barrier3A_12 = arith.constant 0 : index
    tpu.barrier barrier_id(%barrier3A_12)
    %mul3A_13 = arith.constant 640 : i32
    %mul3A_14 = arith.muli %arg1, %mul3A_13 : i32
    %mul3A_15 = arith.constant 640 : i32
    %mul3A_16 = arith.muli %arg1, %mul3A_15 : i32
    "tpu.region"() ({
      %run_scoped3A = tpu.sem_alloc : memref<!tpu.dma_semaphore, #tpu.memory_space<semaphore_mem>>
      %dma_start3A = arith.constant 0 : i32
      %dma_start3A_17 = tpu.memref_slice %arg5[%arg0, %mul3A_16, %dma_start3A] : memref<2x10240x128xf32, #tpu.memory_space<hbm>> -> memref<1x640x8xf32, #tpu.memory_space<hbm>>
      %dma_start3A_18 = tpu.memref_squeeze %dma_start3A_17 : memref<1x640x8xf32, #tpu.memory_space<hbm>> -> memref<640x8xf32, #tpu.memory_space<hbm>>
      %dma_start3A_19 = arith.constant 0 : i32
      %dma_start3A_20 = tpu.memref_slice %arg8[%mul3A_14, %dma_start3A_19] : memref<10240x8xf32, #tpu.memory_space<vmem_shared>> -> memref<640x8xf32, #tpu.memory_space<vmem_shared>>
      tpu.enqueue_dma source(%dma_start3A_20 : memref<640x8xf32, #tpu.memory_space<vmem_shared>>) target(%dma_start3A_18 : memref<640x8xf32, #tpu.memory_space<hbm>>) target_semaphore(%run_scoped3A : memref<!tpu.dma_semaphore, #tpu.memory_space<semaphore_mem>>)
      %dma_wait3A = arith.constant 0 : i32
      %dma_wait3A_21 = tpu.memref_slice %arg5[%arg0, %mul3A_16, %dma_wait3A] : memref<2x10240x128xf32, #tpu.memory_space<hbm>> -> memref<1x640x8xf32, #tpu.memory_space<hbm>>
      %dma_wait3A_22 = tpu.memref_squeeze %dma_wait3A_21 : memref<1x640x8xf32, #tpu.memory_space<hbm>> -> memref<640x8xf32, #tpu.memory_space<hbm>>
      %dma_wait3A_23 = arith.constant 0 : i32
      %dma_wait3A_24 = tpu.memref_slice %arg8[%mul3A_14, %dma_wait3A_23] : memref<10240x8xf32, #tpu.memory_space<vmem_shared>> -> memref<640x8xf32, #tpu.memory_space<vmem_shared>>
      tpu.wait_dma2 semaphore(%run_scoped3A : memref<!tpu.dma_semaphore, #tpu.memory_space<semaphore_mem>>) src(%dma_wait3A_24 : memref<640x8xf32, #tpu.memory_space<vmem_shared>>) dst(%dma_wait3A_22 : memref<640x8xf32, #tpu.memory_space<hbm>>)
      tpu.yield
    }) : () -> ()
    return
  }
}

#map = affine_map<(d0, d1) -> (0, 0)>
#map1 = affine_map<(d0, d1) -> (0, 0, 0)>
module attributes {stable_mosaic.version = 14 : i64} {
  func.func @_agg_kernel(%arg0: i32, %arg1: i32, %arg2: memref<2560x128xi32, #tpu.memory_space<hbm>>, %arg3: memref<2560x128xi32, #tpu.memory_space<hbm>>, %arg4: memref<10240x128xf32, #tpu.memory_space<hbm>>, %arg5: memref<10240x48xf32, #tpu.memory_space<hbm>>, %arg6: memref<2x10240x128xf32, #tpu.memory_space<hbm>>, %arg7: memref<80x128xi32, #tpu.memory_space<vmem>>, %arg8: memref<80x128xi32, #tpu.memory_space<vmem>>, %arg9: memref<128x48xf32, #tpu.memory_space<vmem>>, %arg10: memref<128x48xf32, #tpu.memory_space<vmem>>, %arg11: memref<128x48xf32, #tpu.memory_space<vmem>>, %arg12: memref<128x48xf32, #tpu.memory_space<vmem>>, %arg13: memref<10240x48xf32, #tpu.memory_space<vmem_shared>>, %arg14: memref<10240x48xf32, #tpu.memory_space<vmem_shared>>, %arg15: memref<!tpu.dma_semaphore, #tpu.memory_space<semaphore_mem>>, %arg16: memref<!tpu.dma_semaphore, #tpu.memory_space<semaphore_mem>>, %arg17: memref<!tpu.dma_semaphore, #tpu.memory_space<semaphore_mem>>, %arg18: memref<!tpu.dma_semaphore, #tpu.memory_space<semaphore_mem>>) attributes {dimension_semantics = [#tpu.dimension_semantics<core_parallel>, #tpu.dimension_semantics<subcore_parallel>], iteration_bounds = array<i64: 2, 16>, scalar_prefetch = 0 : i64, scratch_operands = 12 : i64, tpu.core_type = #tpu.core_type<sc_vector_subcore>, window_params = [{transform_indices = #map}, {transform_indices = #map}, {transform_indices = #map}, {transform_indices = #map}, {transform_indices = #map1}]} {
    %mul3A = arith.constant 2 : i32
    %mul3A_0 = arith.muli %arg1, %mul3A : i32
    %add3A = arith.addi %mul3A_0, %arg0 : i32
    %mul3A_1 = arith.constant 80 : i32
    %mul3A_2 = arith.muli %add3A, %mul3A_1 : i32
    "tpu.region"() ({
      %run_scoped3A = tpu.sem_alloc : memref<!tpu.dma_semaphore, #tpu.memory_space<semaphore_mem>>
      %dma_start3A_52 = arith.constant 0 : i32
      %dma_start3A_53 = tpu.memref_slice %arg2[%mul3A_2, %dma_start3A_52] : memref<2560x128xi32, #tpu.memory_space<hbm>> -> memref<80x128xi32, #tpu.memory_space<hbm>>
      %dma_start3A_54 = arith.constant 0 : i32
      %dma_start3A_55 = tpu.memref_slice %arg2[%mul3A_2, %dma_start3A_54] : memref<2560x128xi32, #tpu.memory_space<hbm>> -> memref<80x128xi32, #tpu.memory_space<hbm>>
      tpu.enqueue_dma source(%dma_start3A_55 : memref<80x128xi32, #tpu.memory_space<hbm>>) target(%arg7 : memref<80x128xi32, #tpu.memory_space<vmem>>) target_semaphore(%run_scoped3A : memref<!tpu.dma_semaphore, #tpu.memory_space<semaphore_mem>>)
      %dma_wait3A = arith.constant 0 : i32
      %dma_wait3A_56 = tpu.memref_slice %arg2[%mul3A_2, %dma_wait3A] : memref<2560x128xi32, #tpu.memory_space<hbm>> -> memref<80x128xi32, #tpu.memory_space<hbm>>
      %dma_wait3A_57 = arith.constant 0 : i32
      %dma_wait3A_58 = tpu.memref_slice %arg2[%mul3A_2, %dma_wait3A_57] : memref<2560x128xi32, #tpu.memory_space<hbm>> -> memref<80x128xi32, #tpu.memory_space<hbm>>
      tpu.wait_dma2 semaphore(%run_scoped3A : memref<!tpu.dma_semaphore, #tpu.memory_space<semaphore_mem>>) src(%dma_wait3A_58 : memref<80x128xi32, #tpu.memory_space<hbm>>) dst(%arg7 : memref<80x128xi32, #tpu.memory_space<vmem>>)
      tpu.yield
    }) : () -> ()
    %mul3A_3 = arith.constant 80 : i32
    %mul3A_4 = arith.muli %add3A, %mul3A_3 : i32
    "tpu.region"() ({
      %run_scoped3A = tpu.sem_alloc : memref<!tpu.dma_semaphore, #tpu.memory_space<semaphore_mem>>
      %dma_start3A_52 = arith.constant 0 : i32
      %dma_start3A_53 = tpu.memref_slice %arg3[%mul3A_4, %dma_start3A_52] : memref<2560x128xi32, #tpu.memory_space<hbm>> -> memref<80x128xi32, #tpu.memory_space<hbm>>
      %dma_start3A_54 = arith.constant 0 : i32
      %dma_start3A_55 = tpu.memref_slice %arg3[%mul3A_4, %dma_start3A_54] : memref<2560x128xi32, #tpu.memory_space<hbm>> -> memref<80x128xi32, #tpu.memory_space<hbm>>
      tpu.enqueue_dma source(%dma_start3A_55 : memref<80x128xi32, #tpu.memory_space<hbm>>) target(%arg8 : memref<80x128xi32, #tpu.memory_space<vmem>>) target_semaphore(%run_scoped3A : memref<!tpu.dma_semaphore, #tpu.memory_space<semaphore_mem>>)
      %dma_wait3A = arith.constant 0 : i32
      %dma_wait3A_56 = tpu.memref_slice %arg3[%mul3A_4, %dma_wait3A] : memref<2560x128xi32, #tpu.memory_space<hbm>> -> memref<80x128xi32, #tpu.memory_space<hbm>>
      %dma_wait3A_57 = arith.constant 0 : i32
      %dma_wait3A_58 = tpu.memref_slice %arg3[%mul3A_4, %dma_wait3A_57] : memref<2560x128xi32, #tpu.memory_space<hbm>> -> memref<80x128xi32, #tpu.memory_space<hbm>>
      tpu.wait_dma2 semaphore(%run_scoped3A : memref<!tpu.dma_semaphore, #tpu.memory_space<semaphore_mem>>) src(%dma_wait3A_58 : memref<80x128xi32, #tpu.memory_space<hbm>>) dst(%arg8 : memref<80x128xi32, #tpu.memory_space<vmem>>)
      tpu.yield
    }) : () -> ()
    %mul3A_5 = arith.constant 640 : i32
    %mul3A_6 = arith.muli %arg1, %mul3A_5 : i32
    %mul3A_7 = arith.constant 640 : i32
    %mul3A_8 = arith.muli %arg1, %mul3A_7 : i32
    "tpu.region"() ({
      %run_scoped3A = tpu.sem_alloc : memref<!tpu.dma_semaphore, #tpu.memory_space<semaphore_mem>>
      %dma_start3A_52 = arith.constant 0 : i32
      %dma_start3A_53 = tpu.memref_slice %arg13[%mul3A_8, %dma_start3A_52] : memref<10240x48xf32, #tpu.memory_space<vmem_shared>> -> memref<640x48xf32, #tpu.memory_space<vmem_shared>>
      %dma_start3A_54 = arith.constant 0 : i32
      %dma_start3A_55 = tpu.memref_slice %arg4[%mul3A_6, %dma_start3A_54] : memref<10240x128xf32, #tpu.memory_space<hbm>> -> memref<640x48xf32, #tpu.memory_space<hbm>>
      tpu.enqueue_dma source(%dma_start3A_55 : memref<640x48xf32, #tpu.memory_space<hbm>>) target(%dma_start3A_53 : memref<640x48xf32, #tpu.memory_space<vmem_shared>>) target_semaphore(%run_scoped3A : memref<!tpu.dma_semaphore, #tpu.memory_space<semaphore_mem>>)
      %dma_wait3A = arith.constant 0 : i32
      %dma_wait3A_56 = tpu.memref_slice %arg13[%mul3A_8, %dma_wait3A] : memref<10240x48xf32, #tpu.memory_space<vmem_shared>> -> memref<640x48xf32, #tpu.memory_space<vmem_shared>>
      %dma_wait3A_57 = arith.constant 0 : i32
      %dma_wait3A_58 = tpu.memref_slice %arg4[%mul3A_6, %dma_wait3A_57] : memref<10240x128xf32, #tpu.memory_space<hbm>> -> memref<640x48xf32, #tpu.memory_space<hbm>>
      tpu.wait_dma2 semaphore(%run_scoped3A : memref<!tpu.dma_semaphore, #tpu.memory_space<semaphore_mem>>) src(%dma_wait3A_58 : memref<640x48xf32, #tpu.memory_space<hbm>>) dst(%dma_wait3A_56 : memref<640x48xf32, #tpu.memory_space<vmem_shared>>)
      tpu.yield
    }) : () -> ()
    %eq3A = arith.constant 0 : i32
    %eq3A_9 = arith.cmpi eq, %arg0, %eq3A : i32
    %convert_element_type3A = arith.extui %eq3A_9 : i1 to i32
    %cond3A = arith.constant 0 : i32
    %cond3A_10 = arith.cmpi ne, %convert_element_type3A, %cond3A : i32
    scf.if %cond3A_10 {
      %mul3A_52 = arith.constant 640 : i32
      %mul3A_53 = arith.muli %arg1, %mul3A_52 : i32
      %mul3A_54 = arith.constant 640 : i32
      %mul3A_55 = arith.muli %arg1, %mul3A_54 : i32
      "tpu.region"() ({
        %run_scoped3A = tpu.sem_alloc : memref<!tpu.dma_semaphore, #tpu.memory_space<semaphore_mem>>
        %dma_start3A_56 = arith.constant 0 : i32
        %dma_start3A_57 = tpu.memref_slice %arg14[%mul3A_55, %dma_start3A_56] : memref<10240x48xf32, #tpu.memory_space<vmem_shared>> -> memref<640x48xf32, #tpu.memory_space<vmem_shared>>
        %dma_start3A_58 = arith.constant 0 : i32
        %dma_start3A_59 = tpu.memref_slice %arg4[%mul3A_53, %dma_start3A_58] : memref<10240x128xf32, #tpu.memory_space<hbm>> -> memref<640x48xf32, #tpu.memory_space<hbm>>
        tpu.enqueue_dma source(%dma_start3A_59 : memref<640x48xf32, #tpu.memory_space<hbm>>) target(%dma_start3A_57 : memref<640x48xf32, #tpu.memory_space<vmem_shared>>) target_semaphore(%run_scoped3A : memref<!tpu.dma_semaphore, #tpu.memory_space<semaphore_mem>>)
        %dma_wait3A = arith.constant 0 : i32
        %dma_wait3A_60 = tpu.memref_slice %arg14[%mul3A_55, %dma_wait3A] : memref<10240x48xf32, #tpu.memory_space<vmem_shared>> -> memref<640x48xf32, #tpu.memory_space<vmem_shared>>
        %dma_wait3A_61 = arith.constant 0 : i32
        %dma_wait3A_62 = tpu.memref_slice %arg4[%mul3A_53, %dma_wait3A_61] : memref<10240x128xf32, #tpu.memory_space<hbm>> -> memref<640x48xf32, #tpu.memory_space<hbm>>
        tpu.wait_dma2 semaphore(%run_scoped3A : memref<!tpu.dma_semaphore, #tpu.memory_space<semaphore_mem>>) src(%dma_wait3A_62 : memref<640x48xf32, #tpu.memory_space<hbm>>) dst(%dma_wait3A_60 : memref<640x48xf32, #tpu.memory_space<vmem_shared>>)
        tpu.yield
      }) : () -> ()
    } else {
    }
    %ne3A = arith.constant 0 : i32
    %ne3A_11 = arith.cmpi ne, %arg0, %ne3A : i32
    %convert_element_type3A_12 = arith.extui %ne3A_11 : i1 to i32
    %cond3A_13 = arith.constant 0 : i32
    %cond3A_14 = arith.cmpi ne, %convert_element_type3A_12, %cond3A_13 : i32
    scf.if %cond3A_14 {
      %mul3A_52 = arith.constant 640 : i32
      %mul3A_53 = arith.muli %arg1, %mul3A_52 : i32
      %mul3A_54 = arith.constant 640 : i32
      %mul3A_55 = arith.muli %arg1, %mul3A_54 : i32
      "tpu.region"() ({
        %run_scoped3A = tpu.sem_alloc : memref<!tpu.dma_semaphore, #tpu.memory_space<semaphore_mem>>
        %dma_start3A_56 = arith.constant 0 : i32
        %dma_start3A_57 = tpu.memref_slice %arg14[%mul3A_55, %dma_start3A_56] : memref<10240x48xf32, #tpu.memory_space<vmem_shared>> -> memref<640x48xf32, #tpu.memory_space<vmem_shared>>
        %dma_start3A_58 = arith.constant 0 : i32
        %dma_start3A_59 = tpu.memref_slice %arg5[%mul3A_53, %dma_start3A_58] : memref<10240x48xf32, #tpu.memory_space<hbm>> -> memref<640x48xf32, #tpu.memory_space<hbm>>
        tpu.enqueue_dma source(%dma_start3A_59 : memref<640x48xf32, #tpu.memory_space<hbm>>) target(%dma_start3A_57 : memref<640x48xf32, #tpu.memory_space<vmem_shared>>) target_semaphore(%run_scoped3A : memref<!tpu.dma_semaphore, #tpu.memory_space<semaphore_mem>>)
        %dma_wait3A = arith.constant 0 : i32
        %dma_wait3A_60 = tpu.memref_slice %arg14[%mul3A_55, %dma_wait3A] : memref<10240x48xf32, #tpu.memory_space<vmem_shared>> -> memref<640x48xf32, #tpu.memory_space<vmem_shared>>
        %dma_wait3A_61 = arith.constant 0 : i32
        %dma_wait3A_62 = tpu.memref_slice %arg5[%mul3A_53, %dma_wait3A_61] : memref<10240x48xf32, #tpu.memory_space<hbm>> -> memref<640x48xf32, #tpu.memory_space<hbm>>
        tpu.wait_dma2 semaphore(%run_scoped3A : memref<!tpu.dma_semaphore, #tpu.memory_space<semaphore_mem>>) src(%dma_wait3A_62 : memref<640x48xf32, #tpu.memory_space<hbm>>) dst(%dma_wait3A_60 : memref<640x48xf32, #tpu.memory_space<vmem_shared>>)
        tpu.yield
      }) : () -> ()
    } else {
    }
    %barrier3A = arith.constant 0 : index
    tpu.barrier barrier_id(%barrier3A)
    %dma_start3A = arith.constant 0 : i32
    %dma_start3A_15 = arith.constant 0 : i32
    %dma_start3A_16 = tpu.memref_slice %arg7[%dma_start3A, %dma_start3A_15] : memref<80x128xi32, #tpu.memory_space<vmem>> -> memref<1x128xi32, #tpu.memory_space<vmem>>
    %dma_start3A_17 = tpu.memref_squeeze %dma_start3A_16 : memref<1x128xi32, #tpu.memory_space<vmem>> -> memref<128xi32, #tpu.memory_space<vmem>>
    %dma_start3A_18 = arith.constant 0 : i32
    %dma_start3A_19 = arith.constant 0 : i32
    %dma_start3A_20 = tpu.memref_slice %arg13[%dma_start3A_18, %dma_start3A_19] : memref<10240x48xf32, #tpu.memory_space<vmem_shared>> -> memref<10240x48xf32, #tpu.memory_space<vmem_shared>>
    tpu.enqueue_indirect_dma source(%dma_start3A_20 : memref<10240x48xf32, #tpu.memory_space<vmem_shared>>) target(%arg9 : memref<128x48xf32, #tpu.memory_space<vmem>>) offsets(%dma_start3A_17 : memref<128xi32, #tpu.memory_space<vmem>>) semaphore(%arg15 : memref<!tpu.dma_semaphore, #tpu.memory_space<semaphore_mem>>)
    %dma_start3A_21 = arith.constant 1 : i32
    %dma_start3A_22 = arith.constant 0 : i32
    %dma_start3A_23 = tpu.memref_slice %arg7[%dma_start3A_21, %dma_start3A_22] : memref<80x128xi32, #tpu.memory_space<vmem>> -> memref<1x128xi32, #tpu.memory_space<vmem>>
    %dma_start3A_24 = tpu.memref_squeeze %dma_start3A_23 : memref<1x128xi32, #tpu.memory_space<vmem>> -> memref<128xi32, #tpu.memory_space<vmem>>
    %dma_start3A_25 = arith.constant 0 : i32
    %dma_start3A_26 = arith.constant 0 : i32
    %dma_start3A_27 = tpu.memref_slice %arg13[%dma_start3A_25, %dma_start3A_26] : memref<10240x48xf32, #tpu.memory_space<vmem_shared>> -> memref<10240x48xf32, #tpu.memory_space<vmem_shared>>
    tpu.enqueue_indirect_dma source(%dma_start3A_27 : memref<10240x48xf32, #tpu.memory_space<vmem_shared>>) target(%arg10 : memref<128x48xf32, #tpu.memory_space<vmem>>) offsets(%dma_start3A_24 : memref<128xi32, #tpu.memory_space<vmem>>) semaphore(%arg16 : memref<!tpu.dma_semaphore, #tpu.memory_space<semaphore_mem>>)
    %dma_start3A_28 = arith.constant 2 : i32
    %dma_start3A_29 = arith.constant 0 : i32
    %dma_start3A_30 = tpu.memref_slice %arg7[%dma_start3A_28, %dma_start3A_29] : memref<80x128xi32, #tpu.memory_space<vmem>> -> memref<1x128xi32, #tpu.memory_space<vmem>>
    %dma_start3A_31 = tpu.memref_squeeze %dma_start3A_30 : memref<1x128xi32, #tpu.memory_space<vmem>> -> memref<128xi32, #tpu.memory_space<vmem>>
    %dma_start3A_32 = arith.constant 0 : i32
    %dma_start3A_33 = arith.constant 0 : i32
    %dma_start3A_34 = tpu.memref_slice %arg13[%dma_start3A_32, %dma_start3A_33] : memref<10240x48xf32, #tpu.memory_space<vmem_shared>> -> memref<10240x48xf32, #tpu.memory_space<vmem_shared>>
    tpu.enqueue_indirect_dma source(%dma_start3A_34 : memref<10240x48xf32, #tpu.memory_space<vmem_shared>>) target(%arg11 : memref<128x48xf32, #tpu.memory_space<vmem>>) offsets(%dma_start3A_31 : memref<128xi32, #tpu.memory_space<vmem>>) semaphore(%arg17 : memref<!tpu.dma_semaphore, #tpu.memory_space<semaphore_mem>>)
    %dma_start3A_35 = arith.constant 3 : i32
    %dma_start3A_36 = arith.constant 0 : i32
    %dma_start3A_37 = tpu.memref_slice %arg7[%dma_start3A_35, %dma_start3A_36] : memref<80x128xi32, #tpu.memory_space<vmem>> -> memref<1x128xi32, #tpu.memory_space<vmem>>
    %dma_start3A_38 = tpu.memref_squeeze %dma_start3A_37 : memref<1x128xi32, #tpu.memory_space<vmem>> -> memref<128xi32, #tpu.memory_space<vmem>>
    %dma_start3A_39 = arith.constant 0 : i32
    %dma_start3A_40 = arith.constant 0 : i32
    %dma_start3A_41 = tpu.memref_slice %arg13[%dma_start3A_39, %dma_start3A_40] : memref<10240x48xf32, #tpu.memory_space<vmem_shared>> -> memref<10240x48xf32, #tpu.memory_space<vmem_shared>>
    tpu.enqueue_indirect_dma source(%dma_start3A_41 : memref<10240x48xf32, #tpu.memory_space<vmem_shared>>) target(%arg12 : memref<128x48xf32, #tpu.memory_space<vmem>>) offsets(%dma_start3A_38 : memref<128xi32, #tpu.memory_space<vmem>>) semaphore(%arg18 : memref<!tpu.dma_semaphore, #tpu.memory_space<semaphore_mem>>)
    %scan3A = arith.constant 0 : i32
    %scan3A_42 = arith.constant 0 : i32
    %scan3A_43 = arith.constant 20 : i32
    %scan3A_44 = arith.addi %scan3A_42, %scan3A_43 : i32
    %scan3A_45 = arith.constant 1 : i32
    scf.for %scan3A_52 = %scan3A_42 to %scan3A_44 step %scan3A_45  : i32 {
      %mul3A_53 = arith.constant 4 : i32
      %mul3A_54 = arith.muli %mul3A_53, %scan3A_52 : i32
      %add3A_55 = arith.constant 0 : i32
      %add3A_56 = arith.addi %mul3A_54, %add3A_55 : i32
      %dma_wait3A = arith.constant 0 : i32
      %dma_wait3A_57 = tpu.memref_slice %arg7[%add3A_56, %dma_wait3A] : memref<80x128xi32, #tpu.memory_space<vmem>> -> memref<1x128xi32, #tpu.memory_space<vmem>>
      %dma_wait3A_58 = tpu.memref_squeeze %dma_wait3A_57 : memref<1x128xi32, #tpu.memory_space<vmem>> -> memref<128xi32, #tpu.memory_space<vmem>>
      %dma_wait3A_59 = arith.constant 0 : i32
      %dma_wait3A_60 = arith.constant 0 : i32
      %dma_wait3A_61 = tpu.memref_slice %arg13[%dma_wait3A_59, %dma_wait3A_60] : memref<10240x48xf32, #tpu.memory_space<vmem_shared>> -> memref<10240x48xf32, #tpu.memory_space<vmem_shared>>
      tpu.wait_indirect_dma semaphore(%arg15 : memref<!tpu.dma_semaphore, #tpu.memory_space<semaphore_mem>>) src(%dma_wait3A_61 : memref<10240x48xf32, #tpu.memory_space<vmem_shared>>) dst(%arg9 : memref<128x48xf32, #tpu.memory_space<vmem>>)
      "tpu.region"() ({
        %run_scoped3A = tpu.sem_alloc : memref<!tpu.dma_semaphore, #tpu.memory_space<semaphore_mem>>
        %dma_start3A_119 = arith.constant 0 : i32
        %dma_start3A_120 = tpu.memref_slice %arg8[%add3A_56, %dma_start3A_119] : memref<80x128xi32, #tpu.memory_space<vmem>> -> memref<1x128xi32, #tpu.memory_space<vmem>>
        %dma_start3A_121 = tpu.memref_squeeze %dma_start3A_120 : memref<1x128xi32, #tpu.memory_space<vmem>> -> memref<128xi32, #tpu.memory_space<vmem>>
        %dma_start3A_122 = arith.constant 0 : i32
        %dma_start3A_123 = arith.constant 0 : i32
        %dma_start3A_124 = tpu.memref_slice %arg14[%dma_start3A_122, %dma_start3A_123] : memref<10240x48xf32, #tpu.memory_space<vmem_shared>> -> memref<10240x48xf32, #tpu.memory_space<vmem_shared>>
        tpu.enqueue_indirect_dma source(%arg9 : memref<128x48xf32, #tpu.memory_space<vmem>>) target(%dma_start3A_124 : memref<10240x48xf32, #tpu.memory_space<vmem_shared>>) offsets(%dma_start3A_121 : memref<128xi32, #tpu.memory_space<vmem>>) semaphore(%run_scoped3A : memref<!tpu.dma_semaphore, #tpu.memory_space<semaphore_mem>>) {add = true}
        %dma_wait3A_125 = arith.constant 0 : i32
        %dma_wait3A_126 = tpu.memref_slice %arg8[%add3A_56, %dma_wait3A_125] : memref<80x128xi32, #tpu.memory_space<vmem>> -> memref<1x128xi32, #tpu.memory_space<vmem>>
        %dma_wait3A_127 = tpu.memref_squeeze %dma_wait3A_126 : memref<1x128xi32, #tpu.memory_space<vmem>> -> memref<128xi32, #tpu.memory_space<vmem>>
        %dma_wait3A_128 = arith.constant 0 : i32
        %dma_wait3A_129 = arith.constant 0 : i32
        %dma_wait3A_130 = tpu.memref_slice %arg14[%dma_wait3A_128, %dma_wait3A_129] : memref<10240x48xf32, #tpu.memory_space<vmem_shared>> -> memref<10240x48xf32, #tpu.memory_space<vmem_shared>>
        tpu.wait_indirect_dma semaphore(%run_scoped3A : memref<!tpu.dma_semaphore, #tpu.memory_space<semaphore_mem>>) src(%arg9 : memref<128x48xf32, #tpu.memory_space<vmem>>) dst(%dma_wait3A_130 : memref<10240x48xf32, #tpu.memory_space<vmem_shared>>)
        tpu.yield
      }) : () -> ()
      %add3A_62 = arith.constant 4 : i32
      %add3A_63 = arith.addi %add3A_56, %add3A_62 : i32
      %lt3A = arith.constant 80 : i32
      %lt3A_64 = arith.cmpi slt, %add3A_63, %lt3A : i32
      %convert_element_type3A_65 = arith.extui %lt3A_64 : i1 to i32
      %cond3A_66 = arith.constant 0 : i32
      %cond3A_67 = arith.cmpi ne, %convert_element_type3A_65, %cond3A_66 : i32
      scf.if %cond3A_67 {
        %add3A_119 = arith.constant 4 : i32
        %add3A_120 = arith.addi %add3A_56, %add3A_119 : i32
        %dma_start3A_121 = arith.constant 0 : i32
        %dma_start3A_122 = tpu.memref_slice %arg7[%add3A_120, %dma_start3A_121] : memref<80x128xi32, #tpu.memory_space<vmem>> -> memref<1x128xi32, #tpu.memory_space<vmem>>
        %dma_start3A_123 = tpu.memref_squeeze %dma_start3A_122 : memref<1x128xi32, #tpu.memory_space<vmem>> -> memref<128xi32, #tpu.memory_space<vmem>>
        %dma_start3A_124 = arith.constant 0 : i32
        %dma_start3A_125 = arith.constant 0 : i32
        %dma_start3A_126 = tpu.memref_slice %arg13[%dma_start3A_124, %dma_start3A_125] : memref<10240x48xf32, #tpu.memory_space<vmem_shared>> -> memref<10240x48xf32, #tpu.memory_space<vmem_shared>>
        tpu.enqueue_indirect_dma source(%dma_start3A_126 : memref<10240x48xf32, #tpu.memory_space<vmem_shared>>) target(%arg9 : memref<128x48xf32, #tpu.memory_space<vmem>>) offsets(%dma_start3A_123 : memref<128xi32, #tpu.memory_space<vmem>>) semaphore(%arg15 : memref<!tpu.dma_semaphore, #tpu.memory_space<semaphore_mem>>)
      } else {
      }
      %mul3A_68 = arith.constant 4 : i32
      %mul3A_69 = arith.muli %mul3A_68, %scan3A_52 : i32
      %add3A_70 = arith.constant 1 : i32
      %add3A_71 = arith.addi %mul3A_69, %add3A_70 : i32
      %dma_wait3A_72 = arith.constant 0 : i32
      %dma_wait3A_73 = tpu.memref_slice %arg7[%add3A_71, %dma_wait3A_72] : memref<80x128xi32, #tpu.memory_space<vmem>> -> memref<1x128xi32, #tpu.memory_space<vmem>>
      %dma_wait3A_74 = tpu.memref_squeeze %dma_wait3A_73 : memref<1x128xi32, #tpu.memory_space<vmem>> -> memref<128xi32, #tpu.memory_space<vmem>>
      %dma_wait3A_75 = arith.constant 0 : i32
      %dma_wait3A_76 = arith.constant 0 : i32
      %dma_wait3A_77 = tpu.memref_slice %arg13[%dma_wait3A_75, %dma_wait3A_76] : memref<10240x48xf32, #tpu.memory_space<vmem_shared>> -> memref<10240x48xf32, #tpu.memory_space<vmem_shared>>
      tpu.wait_indirect_dma semaphore(%arg16 : memref<!tpu.dma_semaphore, #tpu.memory_space<semaphore_mem>>) src(%dma_wait3A_77 : memref<10240x48xf32, #tpu.memory_space<vmem_shared>>) dst(%arg10 : memref<128x48xf32, #tpu.memory_space<vmem>>)
      "tpu.region"() ({
        %run_scoped3A = tpu.sem_alloc : memref<!tpu.dma_semaphore, #tpu.memory_space<semaphore_mem>>
        %dma_start3A_119 = arith.constant 0 : i32
        %dma_start3A_120 = tpu.memref_slice %arg8[%add3A_71, %dma_start3A_119] : memref<80x128xi32, #tpu.memory_space<vmem>> -> memref<1x128xi32, #tpu.memory_space<vmem>>
        %dma_start3A_121 = tpu.memref_squeeze %dma_start3A_120 : memref<1x128xi32, #tpu.memory_space<vmem>> -> memref<128xi32, #tpu.memory_space<vmem>>
        %dma_start3A_122 = arith.constant 0 : i32
        %dma_start3A_123 = arith.constant 0 : i32
        %dma_start3A_124 = tpu.memref_slice %arg14[%dma_start3A_122, %dma_start3A_123] : memref<10240x48xf32, #tpu.memory_space<vmem_shared>> -> memref<10240x48xf32, #tpu.memory_space<vmem_shared>>
        tpu.enqueue_indirect_dma source(%arg10 : memref<128x48xf32, #tpu.memory_space<vmem>>) target(%dma_start3A_124 : memref<10240x48xf32, #tpu.memory_space<vmem_shared>>) offsets(%dma_start3A_121 : memref<128xi32, #tpu.memory_space<vmem>>) semaphore(%run_scoped3A : memref<!tpu.dma_semaphore, #tpu.memory_space<semaphore_mem>>) {add = true}
        %dma_wait3A_125 = arith.constant 0 : i32
        %dma_wait3A_126 = tpu.memref_slice %arg8[%add3A_71, %dma_wait3A_125] : memref<80x128xi32, #tpu.memory_space<vmem>> -> memref<1x128xi32, #tpu.memory_space<vmem>>
        %dma_wait3A_127 = tpu.memref_squeeze %dma_wait3A_126 : memref<1x128xi32, #tpu.memory_space<vmem>> -> memref<128xi32, #tpu.memory_space<vmem>>
        %dma_wait3A_128 = arith.constant 0 : i32
        %dma_wait3A_129 = arith.constant 0 : i32
        %dma_wait3A_130 = tpu.memref_slice %arg14[%dma_wait3A_128, %dma_wait3A_129] : memref<10240x48xf32, #tpu.memory_space<vmem_shared>> -> memref<10240x48xf32, #tpu.memory_space<vmem_shared>>
        tpu.wait_indirect_dma semaphore(%run_scoped3A : memref<!tpu.dma_semaphore, #tpu.memory_space<semaphore_mem>>) src(%arg10 : memref<128x48xf32, #tpu.memory_space<vmem>>) dst(%dma_wait3A_130 : memref<10240x48xf32, #tpu.memory_space<vmem_shared>>)
        tpu.yield
      }) : () -> ()
      %add3A_78 = arith.constant 4 : i32
      %add3A_79 = arith.addi %add3A_71, %add3A_78 : i32
      %lt3A_80 = arith.constant 80 : i32
      %lt3A_81 = arith.cmpi slt, %add3A_79, %lt3A_80 : i32
      %convert_element_type3A_82 = arith.extui %lt3A_81 : i1 to i32
      %cond3A_83 = arith.constant 0 : i32
      %cond3A_84 = arith.cmpi ne, %convert_element_type3A_82, %cond3A_83 : i32
      scf.if %cond3A_84 {
        %add3A_119 = arith.constant 4 : i32
        %add3A_120 = arith.addi %add3A_71, %add3A_119 : i32
        %dma_start3A_121 = arith.constant 0 : i32
        %dma_start3A_122 = tpu.memref_slice %arg7[%add3A_120, %dma_start3A_121] : memref<80x128xi32, #tpu.memory_space<vmem>> -> memref<1x128xi32, #tpu.memory_space<vmem>>
        %dma_start3A_123 = tpu.memref_squeeze %dma_start3A_122 : memref<1x128xi32, #tpu.memory_space<vmem>> -> memref<128xi32, #tpu.memory_space<vmem>>
        %dma_start3A_124 = arith.constant 0 : i32
        %dma_start3A_125 = arith.constant 0 : i32
        %dma_start3A_126 = tpu.memref_slice %arg13[%dma_start3A_124, %dma_start3A_125] : memref<10240x48xf32, #tpu.memory_space<vmem_shared>> -> memref<10240x48xf32, #tpu.memory_space<vmem_shared>>
        tpu.enqueue_indirect_dma source(%dma_start3A_126 : memref<10240x48xf32, #tpu.memory_space<vmem_shared>>) target(%arg10 : memref<128x48xf32, #tpu.memory_space<vmem>>) offsets(%dma_start3A_123 : memref<128xi32, #tpu.memory_space<vmem>>) semaphore(%arg16 : memref<!tpu.dma_semaphore, #tpu.memory_space<semaphore_mem>>)
      } else {
      }
      %mul3A_85 = arith.constant 4 : i32
      %mul3A_86 = arith.muli %mul3A_85, %scan3A_52 : i32
      %add3A_87 = arith.constant 2 : i32
      %add3A_88 = arith.addi %mul3A_86, %add3A_87 : i32
      %dma_wait3A_89 = arith.constant 0 : i32
      %dma_wait3A_90 = tpu.memref_slice %arg7[%add3A_88, %dma_wait3A_89] : memref<80x128xi32, #tpu.memory_space<vmem>> -> memref<1x128xi32, #tpu.memory_space<vmem>>
      %dma_wait3A_91 = tpu.memref_squeeze %dma_wait3A_90 : memref<1x128xi32, #tpu.memory_space<vmem>> -> memref<128xi32, #tpu.memory_space<vmem>>
      %dma_wait3A_92 = arith.constant 0 : i32
      %dma_wait3A_93 = arith.constant 0 : i32
      %dma_wait3A_94 = tpu.memref_slice %arg13[%dma_wait3A_92, %dma_wait3A_93] : memref<10240x48xf32, #tpu.memory_space<vmem_shared>> -> memref<10240x48xf32, #tpu.memory_space<vmem_shared>>
      tpu.wait_indirect_dma semaphore(%arg17 : memref<!tpu.dma_semaphore, #tpu.memory_space<semaphore_mem>>) src(%dma_wait3A_94 : memref<10240x48xf32, #tpu.memory_space<vmem_shared>>) dst(%arg11 : memref<128x48xf32, #tpu.memory_space<vmem>>)
      "tpu.region"() ({
        %run_scoped3A = tpu.sem_alloc : memref<!tpu.dma_semaphore, #tpu.memory_space<semaphore_mem>>
        %dma_start3A_119 = arith.constant 0 : i32
        %dma_start3A_120 = tpu.memref_slice %arg8[%add3A_88, %dma_start3A_119] : memref<80x128xi32, #tpu.memory_space<vmem>> -> memref<1x128xi32, #tpu.memory_space<vmem>>
        %dma_start3A_121 = tpu.memref_squeeze %dma_start3A_120 : memref<1x128xi32, #tpu.memory_space<vmem>> -> memref<128xi32, #tpu.memory_space<vmem>>
        %dma_start3A_122 = arith.constant 0 : i32
        %dma_start3A_123 = arith.constant 0 : i32
        %dma_start3A_124 = tpu.memref_slice %arg14[%dma_start3A_122, %dma_start3A_123] : memref<10240x48xf32, #tpu.memory_space<vmem_shared>> -> memref<10240x48xf32, #tpu.memory_space<vmem_shared>>
        tpu.enqueue_indirect_dma source(%arg11 : memref<128x48xf32, #tpu.memory_space<vmem>>) target(%dma_start3A_124 : memref<10240x48xf32, #tpu.memory_space<vmem_shared>>) offsets(%dma_start3A_121 : memref<128xi32, #tpu.memory_space<vmem>>) semaphore(%run_scoped3A : memref<!tpu.dma_semaphore, #tpu.memory_space<semaphore_mem>>) {add = true}
        %dma_wait3A_125 = arith.constant 0 : i32
        %dma_wait3A_126 = tpu.memref_slice %arg8[%add3A_88, %dma_wait3A_125] : memref<80x128xi32, #tpu.memory_space<vmem>> -> memref<1x128xi32, #tpu.memory_space<vmem>>
        %dma_wait3A_127 = tpu.memref_squeeze %dma_wait3A_126 : memref<1x128xi32, #tpu.memory_space<vmem>> -> memref<128xi32, #tpu.memory_space<vmem>>
        %dma_wait3A_128 = arith.constant 0 : i32
        %dma_wait3A_129 = arith.constant 0 : i32
        %dma_wait3A_130 = tpu.memref_slice %arg14[%dma_wait3A_128, %dma_wait3A_129] : memref<10240x48xf32, #tpu.memory_space<vmem_shared>> -> memref<10240x48xf32, #tpu.memory_space<vmem_shared>>
        tpu.wait_indirect_dma semaphore(%run_scoped3A : memref<!tpu.dma_semaphore, #tpu.memory_space<semaphore_mem>>) src(%arg11 : memref<128x48xf32, #tpu.memory_space<vmem>>) dst(%dma_wait3A_130 : memref<10240x48xf32, #tpu.memory_space<vmem_shared>>)
        tpu.yield
      }) : () -> ()
      %add3A_95 = arith.constant 4 : i32
      %add3A_96 = arith.addi %add3A_88, %add3A_95 : i32
      %lt3A_97 = arith.constant 80 : i32
      %lt3A_98 = arith.cmpi slt, %add3A_96, %lt3A_97 : i32
      %convert_element_type3A_99 = arith.extui %lt3A_98 : i1 to i32
      %cond3A_100 = arith.constant 0 : i32
      %cond3A_101 = arith.cmpi ne, %convert_element_type3A_99, %cond3A_100 : i32
      scf.if %cond3A_101 {
        %add3A_119 = arith.constant 4 : i32
        %add3A_120 = arith.addi %add3A_88, %add3A_119 : i32
        %dma_start3A_121 = arith.constant 0 : i32
        %dma_start3A_122 = tpu.memref_slice %arg7[%add3A_120, %dma_start3A_121] : memref<80x128xi32, #tpu.memory_space<vmem>> -> memref<1x128xi32, #tpu.memory_space<vmem>>
        %dma_start3A_123 = tpu.memref_squeeze %dma_start3A_122 : memref<1x128xi32, #tpu.memory_space<vmem>> -> memref<128xi32, #tpu.memory_space<vmem>>
        %dma_start3A_124 = arith.constant 0 : i32
        %dma_start3A_125 = arith.constant 0 : i32
        %dma_start3A_126 = tpu.memref_slice %arg13[%dma_start3A_124, %dma_start3A_125] : memref<10240x48xf32, #tpu.memory_space<vmem_shared>> -> memref<10240x48xf32, #tpu.memory_space<vmem_shared>>
        tpu.enqueue_indirect_dma source(%dma_start3A_126 : memref<10240x48xf32, #tpu.memory_space<vmem_shared>>) target(%arg11 : memref<128x48xf32, #tpu.memory_space<vmem>>) offsets(%dma_start3A_123 : memref<128xi32, #tpu.memory_space<vmem>>) semaphore(%arg17 : memref<!tpu.dma_semaphore, #tpu.memory_space<semaphore_mem>>)
      } else {
      }
      %mul3A_102 = arith.constant 4 : i32
      %mul3A_103 = arith.muli %mul3A_102, %scan3A_52 : i32
      %add3A_104 = arith.constant 3 : i32
      %add3A_105 = arith.addi %mul3A_103, %add3A_104 : i32
      %dma_wait3A_106 = arith.constant 0 : i32
      %dma_wait3A_107 = tpu.memref_slice %arg7[%add3A_105, %dma_wait3A_106] : memref<80x128xi32, #tpu.memory_space<vmem>> -> memref<1x128xi32, #tpu.memory_space<vmem>>
      %dma_wait3A_108 = tpu.memref_squeeze %dma_wait3A_107 : memref<1x128xi32, #tpu.memory_space<vmem>> -> memref<128xi32, #tpu.memory_space<vmem>>
      %dma_wait3A_109 = arith.constant 0 : i32
      %dma_wait3A_110 = arith.constant 0 : i32
      %dma_wait3A_111 = tpu.memref_slice %arg13[%dma_wait3A_109, %dma_wait3A_110] : memref<10240x48xf32, #tpu.memory_space<vmem_shared>> -> memref<10240x48xf32, #tpu.memory_space<vmem_shared>>
      tpu.wait_indirect_dma semaphore(%arg18 : memref<!tpu.dma_semaphore, #tpu.memory_space<semaphore_mem>>) src(%dma_wait3A_111 : memref<10240x48xf32, #tpu.memory_space<vmem_shared>>) dst(%arg12 : memref<128x48xf32, #tpu.memory_space<vmem>>)
      "tpu.region"() ({
        %run_scoped3A = tpu.sem_alloc : memref<!tpu.dma_semaphore, #tpu.memory_space<semaphore_mem>>
        %dma_start3A_119 = arith.constant 0 : i32
        %dma_start3A_120 = tpu.memref_slice %arg8[%add3A_105, %dma_start3A_119] : memref<80x128xi32, #tpu.memory_space<vmem>> -> memref<1x128xi32, #tpu.memory_space<vmem>>
        %dma_start3A_121 = tpu.memref_squeeze %dma_start3A_120 : memref<1x128xi32, #tpu.memory_space<vmem>> -> memref<128xi32, #tpu.memory_space<vmem>>
        %dma_start3A_122 = arith.constant 0 : i32
        %dma_start3A_123 = arith.constant 0 : i32
        %dma_start3A_124 = tpu.memref_slice %arg14[%dma_start3A_122, %dma_start3A_123] : memref<10240x48xf32, #tpu.memory_space<vmem_shared>> -> memref<10240x48xf32, #tpu.memory_space<vmem_shared>>
        tpu.enqueue_indirect_dma source(%arg12 : memref<128x48xf32, #tpu.memory_space<vmem>>) target(%dma_start3A_124 : memref<10240x48xf32, #tpu.memory_space<vmem_shared>>) offsets(%dma_start3A_121 : memref<128xi32, #tpu.memory_space<vmem>>) semaphore(%run_scoped3A : memref<!tpu.dma_semaphore, #tpu.memory_space<semaphore_mem>>) {add = true}
        %dma_wait3A_125 = arith.constant 0 : i32
        %dma_wait3A_126 = tpu.memref_slice %arg8[%add3A_105, %dma_wait3A_125] : memref<80x128xi32, #tpu.memory_space<vmem>> -> memref<1x128xi32, #tpu.memory_space<vmem>>
        %dma_wait3A_127 = tpu.memref_squeeze %dma_wait3A_126 : memref<1x128xi32, #tpu.memory_space<vmem>> -> memref<128xi32, #tpu.memory_space<vmem>>
        %dma_wait3A_128 = arith.constant 0 : i32
        %dma_wait3A_129 = arith.constant 0 : i32
        %dma_wait3A_130 = tpu.memref_slice %arg14[%dma_wait3A_128, %dma_wait3A_129] : memref<10240x48xf32, #tpu.memory_space<vmem_shared>> -> memref<10240x48xf32, #tpu.memory_space<vmem_shared>>
        tpu.wait_indirect_dma semaphore(%run_scoped3A : memref<!tpu.dma_semaphore, #tpu.memory_space<semaphore_mem>>) src(%arg12 : memref<128x48xf32, #tpu.memory_space<vmem>>) dst(%dma_wait3A_130 : memref<10240x48xf32, #tpu.memory_space<vmem_shared>>)
        tpu.yield
      }) : () -> ()
      %add3A_112 = arith.constant 4 : i32
      %add3A_113 = arith.addi %add3A_105, %add3A_112 : i32
      %lt3A_114 = arith.constant 80 : i32
      %lt3A_115 = arith.cmpi slt, %add3A_113, %lt3A_114 : i32
      %convert_element_type3A_116 = arith.extui %lt3A_115 : i1 to i32
      %cond3A_117 = arith.constant 0 : i32
      %cond3A_118 = arith.cmpi ne, %convert_element_type3A_116, %cond3A_117 : i32
      scf.if %cond3A_118 {
        %add3A_119 = arith.constant 4 : i32
        %add3A_120 = arith.addi %add3A_105, %add3A_119 : i32
        %dma_start3A_121 = arith.constant 0 : i32
        %dma_start3A_122 = tpu.memref_slice %arg7[%add3A_120, %dma_start3A_121] : memref<80x128xi32, #tpu.memory_space<vmem>> -> memref<1x128xi32, #tpu.memory_space<vmem>>
        %dma_start3A_123 = tpu.memref_squeeze %dma_start3A_122 : memref<1x128xi32, #tpu.memory_space<vmem>> -> memref<128xi32, #tpu.memory_space<vmem>>
        %dma_start3A_124 = arith.constant 0 : i32
        %dma_start3A_125 = arith.constant 0 : i32
        %dma_start3A_126 = tpu.memref_slice %arg13[%dma_start3A_124, %dma_start3A_125] : memref<10240x48xf32, #tpu.memory_space<vmem_shared>> -> memref<10240x48xf32, #tpu.memory_space<vmem_shared>>
        tpu.enqueue_indirect_dma source(%dma_start3A_126 : memref<10240x48xf32, #tpu.memory_space<vmem_shared>>) target(%arg12 : memref<128x48xf32, #tpu.memory_space<vmem>>) offsets(%dma_start3A_123 : memref<128xi32, #tpu.memory_space<vmem>>) semaphore(%arg18 : memref<!tpu.dma_semaphore, #tpu.memory_space<semaphore_mem>>)
      } else {
      }
    }
    %scan3A_46 = arith.constant 20 : i32
    %barrier3A_47 = arith.constant 0 : index
    tpu.barrier barrier_id(%barrier3A_47)
    %mul3A_48 = arith.constant 640 : i32
    %mul3A_49 = arith.muli %arg1, %mul3A_48 : i32
    %mul3A_50 = arith.constant 640 : i32
    %mul3A_51 = arith.muli %arg1, %mul3A_50 : i32
    "tpu.region"() ({
      %run_scoped3A = tpu.sem_alloc : memref<!tpu.dma_semaphore, #tpu.memory_space<semaphore_mem>>
      %dma_start3A_52 = arith.constant 0 : i32
      %dma_start3A_53 = tpu.memref_slice %arg6[%arg0, %mul3A_51, %dma_start3A_52] : memref<2x10240x128xf32, #tpu.memory_space<hbm>> -> memref<1x640x48xf32, #tpu.memory_space<hbm>>
      %dma_start3A_54 = tpu.memref_squeeze %dma_start3A_53 : memref<1x640x48xf32, #tpu.memory_space<hbm>> -> memref<640x48xf32, #tpu.memory_space<hbm>>
      %dma_start3A_55 = arith.constant 0 : i32
      %dma_start3A_56 = tpu.memref_slice %arg14[%mul3A_49, %dma_start3A_55] : memref<10240x48xf32, #tpu.memory_space<vmem_shared>> -> memref<640x48xf32, #tpu.memory_space<vmem_shared>>
      tpu.enqueue_dma source(%dma_start3A_56 : memref<640x48xf32, #tpu.memory_space<vmem_shared>>) target(%dma_start3A_54 : memref<640x48xf32, #tpu.memory_space<hbm>>) target_semaphore(%run_scoped3A : memref<!tpu.dma_semaphore, #tpu.memory_space<semaphore_mem>>)
      %dma_wait3A = arith.constant 0 : i32
      %dma_wait3A_57 = tpu.memref_slice %arg6[%arg0, %mul3A_51, %dma_wait3A] : memref<2x10240x128xf32, #tpu.memory_space<hbm>> -> memref<1x640x48xf32, #tpu.memory_space<hbm>>
      %dma_wait3A_58 = tpu.memref_squeeze %dma_wait3A_57 : memref<1x640x48xf32, #tpu.memory_space<hbm>> -> memref<640x48xf32, #tpu.memory_space<hbm>>
      %dma_wait3A_59 = arith.constant 0 : i32
      %dma_wait3A_60 = tpu.memref_slice %arg14[%mul3A_49, %dma_wait3A_59] : memref<10240x48xf32, #tpu.memory_space<vmem_shared>> -> memref<640x48xf32, #tpu.memory_space<vmem_shared>>
      tpu.wait_dma2 semaphore(%run_scoped3A : memref<!tpu.dma_semaphore, #tpu.memory_space<semaphore_mem>>) src(%dma_wait3A_60 : memref<640x48xf32, #tpu.memory_space<vmem_shared>>) dst(%dma_wait3A_58 : memref<640x48xf32, #tpu.memory_space<hbm>>)
      tpu.yield
    }) : () -> ()
    return
  }
}

module attributes {stable_mosaic.version = 14 : i64} {
  func.func @_lin_body(%arg0: i32, %arg1: memref<1024x128xf32, #tpu.memory_space<vmem>>, %arg2: memref<128x48xf32, #tpu.memory_space<vmem>>, %arg3: memref<2x1024x128xf32, #tpu.memory_space<vmem>>, %arg4: memref<1024x128xf32, #tpu.memory_space<vmem>>, %arg5: memref<1024x1xf32, #tpu.memory_space<vmem>>) attributes {dimension_semantics = [#tpu.dimension_semantics<arbitrary>], iteration_bounds = array<i64: 10>, scalar_prefetch = 0 : i64, scratch_operands = 0 : i64, tpu.core_type = #tpu.core_type<tc>, window_params = [{transform_indices = @transform_0, window_bounds = array<i64: 1024, 128>}, {pipeline_mode = #tpu.pipeline_mode<synchronous>, transform_indices = @transform_1, window_bounds = array<i64: 128, 48>}, {transform_indices = @transform_2, window_bounds = array<i64: 2, 1024, 128>}, {transform_indices = @transform_3, window_bounds = array<i64: 1024, 128>}, {transform_indices = @transform_4, window_bounds = array<i64: 1024, 1>}]} {
    %get3A = arith.constant 0 : index
    %get3A_0 = arith.constant 0 : index
    %get3A_1 = vector.load %arg1[%get3A, %get3A_0] : memref<1024x128xf32, #tpu.memory_space<vmem>>, vector<1024x128xf32>
    %get3A_2 = arith.constant 0 : index
    %get3A_3 = arith.constant 0 : index
    %get3A_4 = vector.load %arg2[%get3A_2, %get3A_3] : memref<128x48xf32, #tpu.memory_space<vmem>>, vector<128x48xf32>
    %dot_general3A = arith.constant dense<0.000000e+00> : vector<1024x48xf32>
    %dot_general3A_5 = tpu.matmul %get3A_1, %get3A_4, %dot_general3A {dimension_numbers = #tpu.dot_dimension_numbers<[1], [0], [0], [1], [0, 0, 1, 1], [], []>, transpose_lhs_hint = false} : vector<1024x128xf32>, vector<128x48xf32>, vector<1024x48xf32> -> vector<1024x48xf32>
    %get3A_6 = arith.constant 0 : index
    %get3A_7 = arith.constant 0 : index
    %get3A_8 = arith.constant 0 : index
    %get3A_9 = vector.load %arg3[%get3A_6, %get3A_7, %get3A_8] : memref<2x1024x128xf32, #tpu.memory_space<vmem>>, vector<1x1024x1xf32>
    %get3A_10 = vector.shape_cast %get3A_9 : vector<1x1024x1xf32> to vector<1024x1xf32>
    %get3A_11 = arith.constant 1 : index
    %get3A_12 = arith.constant 0 : index
    %get3A_13 = arith.constant 0 : index
    %get3A_14 = vector.load %arg3[%get3A_11, %get3A_12, %get3A_13] : memref<2x1024x128xf32, #tpu.memory_space<vmem>>, vector<1x1024x1xf32>
    %get3A_15 = vector.shape_cast %get3A_14 : vector<1x1024x1xf32> to vector<1024x1xf32>
    %add3A = arith.addf %get3A_10, %get3A_15 : vector<1024x1xf32>
    %add3A_16 = arith.constant 1.000000e+00 : f32
    %add3A_17 = vector.broadcast %add3A_16 : f32 to vector<1024x1xf32>
    %add3A_18 = arith.addf %add3A, %add3A_17 : vector<1024x1xf32>
    %rsqrt3A = math.rsqrt %add3A_18 : vector<1024x1xf32>
    %mul3A = vector.broadcast %rsqrt3A : vector<1024x1xf32> to vector<1024x48xf32>
    %mul3A_19 = arith.mulf %dot_general3A_5, %mul3A : vector<1024x48xf32>
    %broadcast_in_dim3A = arith.constant 0.000000e+00 : f32
    %broadcast_in_dim3A_20 = vector.broadcast %broadcast_in_dim3A : f32 to vector<1024x80xf32>
    %concatenate3A = tpu.concatenate %mul3A_19, %broadcast_in_dim3A_20 in 1 : vector<1024x48xf32>, vector<1024x80xf32> -> vector<1024x128xf32>
    %swap3A = arith.constant 0 : index
    %swap3A_21 = arith.constant 0 : index
    %swap3A_22 = vector.load %arg4[%swap3A, %swap3A_21] : memref<1024x128xf32, #tpu.memory_space<vmem>>, vector<1024x128xf32>
    tpu.vector_store %arg4[%swap3A, %swap3A_21], %concatenate3A {strides = array<i32>} : memref<1024x128xf32, #tpu.memory_space<vmem>>, vector<1024x128xf32>,
    %swap3A_23 = arith.constant 0 : index
    %swap3A_24 = arith.constant 0 : index
    %swap3A_25 = vector.load %arg5[%swap3A_23, %swap3A_24] : memref<1024x1xf32, #tpu.memory_space<vmem>>, vector<1024x1xf32>
    tpu.vector_store %arg5[%swap3A_23, %swap3A_24], %rsqrt3A {strides = array<i32>} : memref<1024x1xf32, #tpu.memory_space<vmem>>, vector<1024x1xf32>,
    return
  }
  func.func @transform_0(%arg0: i32) -> (i32, i32) {
    %c0_i32 = arith.constant 0 : i32
    %c0_i32_0 = arith.constant 0 : i32
    return %arg0, %c0_i32 : i32, i32
  }
  func.func @transform_1(%arg0: i32) -> (i32, i32) {
    %c0_i32 = arith.constant 0 : i32
    %c0_i32_0 = arith.constant 0 : i32
    %c0_i32_1 = arith.constant 0 : i32
    return %c0_i32, %c0_i32_0 : i32, i32
  }
  func.func @transform_2(%arg0: i32) -> (i32, i32, i32) {
    %c0_i32 = arith.constant 0 : i32
    %c0_i32_0 = arith.constant 0 : i32
    %c0_i32_1 = arith.constant 0 : i32
    return %c0_i32, %arg0, %c0_i32_0 : i32, i32, i32
  }
  func.func @transform_3(%arg0: i32) -> (i32, i32) {
    %c0_i32 = arith.constant 0 : i32
    %c0_i32_0 = arith.constant 0 : i32
    return %arg0, %c0_i32 : i32, i32
  }
  func.func @transform_4(%arg0: i32) -> (i32, i32) {
    %c0_i32 = arith.constant 0 : i32
    %c0_i32_0 = arith.constant 0 : i32
    return %arg0, %c0_i32 : i32, i32
  }
}

module attributes {stable_mosaic.version = 14 : i64} {
  func.func @_gn_body(%arg0: memref<2x10240x128xf32, #tpu.memory_space<vmem>>, %arg1: memref<10240x1xf32, #tpu.memory_space<vmem>>, %arg2: memref<1x48xf32, #tpu.memory_space<vmem>>, %arg3: memref<1x48xf32, #tpu.memory_space<vmem>>, %arg4: memref<1x48xf32, #tpu.memory_space<vmem>>, %arg5: memref<1x48xf32, #tpu.memory_space<vmem>>, %arg6: memref<10240x128xf32, #tpu.memory_space<vmem>>) attributes {dimension_semantics = [], scalar_prefetch = 0 : i64, scratch_operands = 0 : i64, tpu.core_type = #tpu.core_type<tc>} {
    %iota3A = tpu.iota {dimensions = array<i32: 0>} : vector<10240x1xi32>
    %lt3A = arith.constant 10000 : i32
    %lt3A_0 = vector.broadcast %lt3A : i32 to vector<10240x1xi32>
    %lt3A_1 = arith.cmpi slt, %iota3A, %lt3A_0 : vector<10240x1xi32>
    %convert_element_type3A = arith.extui %lt3A_1 : vector<10240x1xi1> to vector<10240x1xi32>
    %convert_element_type3A_2 = arith.sitofp %convert_element_type3A : vector<10240x1xi32> to vector<10240x1xf32>
    %get3A = arith.constant 0 : index
    %get3A_3 = arith.constant 0 : index
    %get3A_4 = vector.load %arg1[%get3A, %get3A_3] : memref<10240x1xf32, #tpu.memory_space<vmem>>, vector<10240x1xf32>
    %get3A_5 = arith.constant 0 : index
    %get3A_6 = arith.constant 0 : index
    %get3A_7 = arith.constant 0 : index
    %get3A_8 = vector.load %arg0[%get3A_5, %get3A_6, %get3A_7] : memref<2x10240x128xf32, #tpu.memory_space<vmem>>, vector<1x10240x48xf32>
    %get3A_9 = vector.shape_cast %get3A_8 : vector<1x10240x48xf32> to vector<10240x48xf32>
    %get3A_10 = arith.constant 1 : index
    %get3A_11 = arith.constant 0 : index
    %get3A_12 = arith.constant 0 : index
    %get3A_13 = vector.load %arg0[%get3A_10, %get3A_11, %get3A_12] : memref<2x10240x128xf32, #tpu.memory_space<vmem>>, vector<1x10240x48xf32>
    %get3A_14 = vector.shape_cast %get3A_13 : vector<1x10240x48xf32> to vector<10240x48xf32>
    %add3A = arith.addf %get3A_9, %get3A_14 : vector<10240x48xf32>
    %mul3A = vector.broadcast %get3A_4 : vector<10240x1xf32> to vector<10240x48xf32>
    %mul3A_15 = arith.mulf %mul3A, %add3A : vector<10240x48xf32>
    %get3A_16 = arith.constant 0 : index
    %get3A_17 = arith.constant 0 : index
    %get3A_18 = vector.load %arg2[%get3A_16, %get3A_17] : memref<1x48xf32, #tpu.memory_space<vmem>>, vector<1x48xf32>
    %add3A_19 = vector.broadcast %get3A_18 : vector<1x48xf32> to vector<10240x48xf32>
    %add3A_20 = arith.addf %mul3A_15, %add3A_19 : vector<10240x48xf32>
    %mul3A_21 = vector.broadcast %convert_element_type3A_2 : vector<10240x1xf32> to vector<10240x48xf32>
    %mul3A_22 = arith.mulf %add3A_20, %mul3A_21 : vector<10240x48xf32>
    %reduce_sum3A = arith.constant dense<0.000000e+00> : vector<48xf32>
    %reduce_sum3A_23 = vector.multi_reduction <add>, %mul3A_22, %reduce_sum3A [0] : vector<10240x48xf32> to vector<48xf32>
    %broadcast_in_dim3A = vector.shape_cast %reduce_sum3A_23 : vector<48xf32> to vector<1x48xf32>
    %mul3A_24 = arith.constant 9.99999974E-5 : f32
    %mul3A_25 = vector.broadcast %mul3A_24 : f32 to vector<1x48xf32>
    %mul3A_26 = arith.mulf %broadcast_in_dim3A, %mul3A_25 : vector<1x48xf32>
    %get3A_27 = arith.constant 0 : index
    %get3A_28 = arith.constant 0 : index
    %get3A_29 = vector.load %arg5[%get3A_27, %get3A_28] : memref<1x48xf32, #tpu.memory_space<vmem>>, vector<1x48xf32>
    %mul3A_30 = arith.mulf %mul3A_26, %get3A_29 : vector<1x48xf32>
    %sub3A = vector.broadcast %mul3A_30 : vector<1x48xf32> to vector<10240x48xf32>
    %sub3A_31 = arith.subf %mul3A_22, %sub3A : vector<10240x48xf32>
    %mul3A_32 = vector.broadcast %convert_element_type3A_2 : vector<10240x1xf32> to vector<10240x48xf32>
    %mul3A_33 = arith.mulf %sub3A_31, %mul3A_32 : vector<10240x48xf32>
    %mul3A_34 = arith.mulf %mul3A_33, %mul3A_33 : vector<10240x48xf32>
    %reduce_sum3A_35 = arith.constant dense<0.000000e+00> : vector<48xf32>
    %reduce_sum3A_36 = vector.multi_reduction <add>, %mul3A_34, %reduce_sum3A_35 [0] : vector<10240x48xf32> to vector<48xf32>
    %broadcast_in_dim3A_37 = vector.shape_cast %reduce_sum3A_36 : vector<48xf32> to vector<1x48xf32>
    %mul3A_38 = arith.constant 9.99999974E-5 : f32
    %mul3A_39 = vector.broadcast %mul3A_38 : f32 to vector<1x48xf32>
    %mul3A_40 = arith.mulf %broadcast_in_dim3A_37, %mul3A_39 : vector<1x48xf32>
    %get3A_41 = arith.constant 0 : index
    %get3A_42 = arith.constant 0 : index
    %get3A_43 = vector.load %arg3[%get3A_41, %get3A_42] : memref<1x48xf32, #tpu.memory_space<vmem>>, vector<1x48xf32>
    %add3A_44 = arith.constant 9.99999974E-6 : f32
    %add3A_45 = vector.broadcast %add3A_44 : f32 to vector<1x48xf32>
    %add3A_46 = arith.addf %mul3A_40, %add3A_45 : vector<1x48xf32>
    %rsqrt3A = math.rsqrt %add3A_46 : vector<1x48xf32>
    %mul3A_47 = vector.broadcast %rsqrt3A : vector<1x48xf32> to vector<10240x48xf32>
    %mul3A_48 = arith.mulf %mul3A_33, %mul3A_47 : vector<10240x48xf32>
    %mul3A_49 = vector.broadcast %get3A_43 : vector<1x48xf32> to vector<10240x48xf32>
    %mul3A_50 = arith.mulf %mul3A_49, %mul3A_48 : vector<10240x48xf32>
    %get3A_51 = arith.constant 0 : index
    %get3A_52 = arith.constant 0 : index
    %get3A_53 = vector.load %arg4[%get3A_51, %get3A_52] : memref<1x48xf32, #tpu.memory_space<vmem>>, vector<1x48xf32>
    %add3A_54 = vector.broadcast %get3A_53 : vector<1x48xf32> to vector<10240x48xf32>
    %add3A_55 = arith.addf %mul3A_50, %add3A_54 : vector<10240x48xf32>
    %max3A = arith.constant 0.000000e+00 : f32
    %max3A_56 = vector.broadcast %max3A : f32 to vector<10240x48xf32>
    %max3A_57 = arith.maximumf %add3A_55, %max3A_56 : vector<10240x48xf32>
    %mul3A_58 = vector.broadcast %get3A_4 : vector<10240x1xf32> to vector<10240x48xf32>
    %mul3A_59 = arith.mulf %max3A_57, %mul3A_58 : vector<10240x48xf32>
    %mul3A_60 = vector.broadcast %convert_element_type3A_2 : vector<10240x1xf32> to vector<10240x48xf32>
    %mul3A_61 = arith.mulf %mul3A_59, %mul3A_60 : vector<10240x48xf32>
    %broadcast_in_dim3A_62 = arith.constant 0.000000e+00 : f32
    %broadcast_in_dim3A_63 = vector.broadcast %broadcast_in_dim3A_62 : f32 to vector<10240x80xf32>
    %concatenate3A = tpu.concatenate %mul3A_61, %broadcast_in_dim3A_63 in 1 : vector<10240x48xf32>, vector<10240x80xf32> -> vector<10240x128xf32>
    %swap3A = arith.constant 0 : index
    %swap3A_64 = arith.constant 0 : index
    %swap3A_65 = vector.load %arg6[%swap3A, %swap3A_64] : memref<10240x128xf32, #tpu.memory_space<vmem>>, vector<10240x128xf32>
    tpu.vector_store %arg6[%swap3A, %swap3A_64], %concatenate3A {strides = array<i32>} : memref<10240x128xf32, #tpu.memory_space<vmem>>, vector<10240x128xf32>,
    return
  }
}

module attributes {stable_mosaic.version = 14 : i64} {
  func.func @_heads_body(%arg0: i32, %arg1: memref<2x1000x128xf32, #tpu.memory_space<vmem>>, %arg2: memref<1000x1xf32, #tpu.memory_space<vmem>>, %arg3: memref<48x128xf32, #tpu.memory_space<vmem>>, %arg4: memref<1x128xf32, #tpu.memory_space<vmem>>, %arg5: memref<48x128xf32, #tpu.memory_space<vmem>>, %arg6: memref<1x128xf32, #tpu.memory_space<vmem>>, %arg7: memref<48x128xf32, #tpu.memory_space<vmem>>, %arg8: memref<1x128xf32, #tpu.memory_space<vmem>>, %arg9: memref<1000x128xf32, #tpu.memory_space<vmem>>, %arg10: memref<1000x128xf32, #tpu.memory_space<vmem>>, %arg11: memref<1000x128xf32, #tpu.memory_space<vmem>>) attributes {dimension_semantics = [#tpu.dimension_semantics<arbitrary>], iteration_bounds = array<i64: 10>, scalar_prefetch = 0 : i64, scratch_operands = 0 : i64, tpu.core_type = #tpu.core_type<tc>, window_params = [{transform_indices = @transform_0, window_bounds = array<i64: 2, 1000, 128>}, {transform_indices = @transform_1, window_bounds = array<i64: 1000, 1>}, {pipeline_mode = #tpu.pipeline_mode<synchronous>, transform_indices = @transform_2, window_bounds = array<i64: 48, 128>}, {pipeline_mode = #tpu.pipeline_mode<synchronous>, transform_indices = @transform_3, window_bounds = array<i64: 1, 128>}, {pipeline_mode = #tpu.pipeline_mode<synchronous>, transform_indices = @transform_4, window_bounds = array<i64: 48, 128>}, {pipeline_mode = #tpu.pipeline_mode<synchronous>, transform_indices = @transform_5, window_bounds = array<i64: 1, 128>}, {pipeline_mode = #tpu.pipeline_mode<synchronous>, transform_indices = @transform_6, window_bounds = array<i64: 48, 128>}, {pipeline_mode = #tpu.pipeline_mode<synchronous>, transform_indices = @transform_7, window_bounds = array<i64: 1, 128>}, {transform_indices = @transform_8, window_bounds = array<i64: 1000, 128>}, {transform_indices = @transform_9, window_bounds = array<i64: 1000, 128>}, {transform_indices = @transform_10, window_bounds = array<i64: 1000, 128>}]} {
    %get3A = arith.constant 0 : index
    %get3A_0 = arith.constant 0 : index
    %get3A_1 = vector.load %arg2[%get3A, %get3A_0] : memref<1000x1xf32, #tpu.memory_space<vmem>>, vector<1000x1xf32>
    %get3A_2 = arith.constant 0 : index
    %get3A_3 = arith.constant 0 : index
    %get3A_4 = arith.constant 0 : index
    %get3A_5 = vector.load %arg1[%get3A_2, %get3A_3, %get3A_4] : memref<2x1000x128xf32, #tpu.memory_space<vmem>>, vector<1x1000x48xf32>
    %get3A_6 = vector.shape_cast %get3A_5 : vector<1x1000x48xf32> to vector<1000x48xf32>
    %get3A_7 = arith.constant 1 : index
    %get3A_8 = arith.constant 0 : index
    %get3A_9 = arith.constant 0 : index
    %get3A_10 = vector.load %arg1[%get3A_7, %get3A_8, %get3A_9] : memref<2x1000x128xf32, #tpu.memory_space<vmem>>, vector<1x1000x48xf32>
    %get3A_11 = vector.shape_cast %get3A_10 : vector<1x1000x48xf32> to vector<1000x48xf32>
    %add3A = arith.addf %get3A_6, %get3A_11 : vector<1000x48xf32>
    %mul3A = vector.broadcast %get3A_1 : vector<1000x1xf32> to vector<1000x48xf32>
    %mul3A_12 = arith.mulf %mul3A, %add3A : vector<1000x48xf32>
    %get3A_13 = arith.constant 0 : index
    %get3A_14 = arith.constant 0 : index
    %get3A_15 = vector.load %arg3[%get3A_13, %get3A_14] : memref<48x128xf32, #tpu.memory_space<vmem>>, vector<48x128xf32>
    %dot_general3A = arith.constant dense<0.000000e+00> : vector<1000x128xf32>
    %dot_general3A_16 = tpu.matmul %mul3A_12, %get3A_15, %dot_general3A {dimension_numbers = #tpu.dot_dimension_numbers<[1], [0], [0], [1], [0, 0, 1, 1], [], []>, transpose_lhs_hint = false} : vector<1000x48xf32>, vector<48x128xf32>, vector<1000x128xf32> -> vector<1000x128xf32>
    %get3A_17 = arith.constant 0 : index
    %get3A_18 = arith.constant 0 : index
    %get3A_19 = vector.load %arg4[%get3A_17, %get3A_18] : memref<1x128xf32, #tpu.memory_space<vmem>>, vector<1x128xf32>
    %add3A_20 = vector.broadcast %get3A_19 : vector<1x128xf32> to vector<1000x128xf32>
    %add3A_21 = arith.addf %dot_general3A_16, %add3A_20 : vector<1000x128xf32>
    %exp3A = math.exp %add3A_21 : vector<1000x128xf32>
    %jit3A = arith.constant 9.99999974E-6 : f32
    %jit3A_22 = arith.constant 1.000000e+06 : f32
    %max3A = vector.broadcast %jit3A : f32 to vector<1000x128xf32>
    %max3A_23 = arith.maximumf %max3A, %exp3A : vector<1000x128xf32>
    %min3A = vector.broadcast %jit3A_22 : f32 to vector<1000x128xf32>
    %min3A_24 = arith.minimumf %min3A, %max3A_23 : vector<1000x128xf32>
    %swap3A = arith.constant 0 : index
    %swap3A_25 = arith.constant 0 : index
    %swap3A_26 = vector.load %arg9[%swap3A, %swap3A_25] : memref<1000x128xf32, #tpu.memory_space<vmem>>, vector<1000x128xf32>
    tpu.vector_store %arg9[%swap3A, %swap3A_25], %min3A_24 {strides = array<i32>} : memref<1000x128xf32, #tpu.memory_space<vmem>>, vector<1000x128xf32>,
    %get3A_27 = arith.constant 0 : index
    %get3A_28 = arith.constant 0 : index
    %get3A_29 = vector.load %arg5[%get3A_27, %get3A_28] : memref<48x128xf32, #tpu.memory_space<vmem>>, vector<48x128xf32>
    %dot_general3A_30 = arith.constant dense<0.000000e+00> : vector<1000x128xf32>
    %dot_general3A_31 = tpu.matmul %mul3A_12, %get3A_29, %dot_general3A_30 {dimension_numbers = #tpu.dot_dimension_numbers<[1], [0], [0], [1], [0, 0, 1, 1], [], []>, transpose_lhs_hint = false} : vector<1000x48xf32>, vector<48x128xf32>, vector<1000x128xf32> -> vector<1000x128xf32>
    %get3A_32 = arith.constant 0 : index
    %get3A_33 = arith.constant 0 : index
    %get3A_34 = vector.load %arg6[%get3A_32, %get3A_33] : memref<1x128xf32, #tpu.memory_space<vmem>>, vector<1x128xf32>
    %add3A_35 = vector.broadcast %get3A_34 : vector<1x128xf32> to vector<1000x128xf32>
    %add3A_36 = arith.addf %dot_general3A_31, %add3A_35 : vector<1000x128xf32>
    %max3A_37 = arith.constant 0.000000e+00 : f32
    %max3A_38 = vector.broadcast %max3A_37 : f32 to vector<1000x128xf32>
    %max3A_39 = arith.maximumf %add3A_36, %max3A_38 : vector<1000x128xf32>
    %abs3A = math.absf %add3A_36 : vector<1000x128xf32>
    %neg3A = arith.constant 0.000000e+00 : f32
    %neg3A_40 = vector.broadcast %neg3A : f32 to vector<1000x128xf32>
    %neg3A_41 = arith.subf %neg3A_40, %abs3A : vector<1000x128xf32>
    %exp3A_42 = math.exp %neg3A_41 : vector<1000x128xf32>
    %log1p3A = math.log1p %exp3A_42 : vector<1000x128xf32>
    %add3A_43 = arith.addf %max3A_39, %log1p3A : vector<1000x128xf32>
    %jit3A_44 = arith.constant 9.99999974E-5 : f32
    %jit3A_45 = arith.constant 1.000000e+04 : f32
    %max3A_46 = vector.broadcast %jit3A_44 : f32 to vector<1000x128xf32>
    %max3A_47 = arith.maximumf %max3A_46, %add3A_43 : vector<1000x128xf32>
    %min3A_48 = vector.broadcast %jit3A_45 : f32 to vector<1000x128xf32>
    %min3A_49 = arith.minimumf %min3A_48, %max3A_47 : vector<1000x128xf32>
    %swap3A_50 = arith.constant 0 : index
    %swap3A_51 = arith.constant 0 : index
    %swap3A_52 = vector.load %arg10[%swap3A_50, %swap3A_51] : memref<1000x128xf32, #tpu.memory_space<vmem>>, vector<1000x128xf32>
    tpu.vector_store %arg10[%swap3A_50, %swap3A_51], %min3A_49 {strides = array<i32>} : memref<1000x128xf32, #tpu.memory_space<vmem>>, vector<1000x128xf32>,
    %get3A_53 = arith.constant 0 : index
    %get3A_54 = arith.constant 0 : index
    %get3A_55 = vector.load %arg7[%get3A_53, %get3A_54] : memref<48x128xf32, #tpu.memory_space<vmem>>, vector<48x128xf32>
    %dot_general3A_56 = arith.constant dense<0.000000e+00> : vector<1000x128xf32>
    %dot_general3A_57 = tpu.matmul %mul3A_12, %get3A_55, %dot_general3A_56 {dimension_numbers = #tpu.dot_dimension_numbers<[1], [0], [0], [1], [0, 0, 1, 1], [], []>, transpose_lhs_hint = false} : vector<1000x48xf32>, vector<48x128xf32>, vector<1000x128xf32> -> vector<1000x128xf32>
    %get3A_58 = arith.constant 0 : index
    %get3A_59 = arith.constant 0 : index
    %get3A_60 = vector.load %arg8[%get3A_58, %get3A_59] : memref<1x128xf32, #tpu.memory_space<vmem>>, vector<1x128xf32>
    %add3A_61 = vector.broadcast %get3A_60 : vector<1x128xf32> to vector<1000x128xf32>
    %add3A_62 = arith.addf %dot_general3A_57, %add3A_61 : vector<1000x128xf32>
    %neg3A_63 = arith.constant 0.000000e+00 : f32
    %neg3A_64 = vector.broadcast %neg3A_63 : f32 to vector<1000x128xf32>
    %neg3A_65 = arith.subf %neg3A_64, %add3A_62 : vector<1000x128xf32>
    %exp3A_66 = math.exp %neg3A_65 : vector<1000x128xf32>
    %add3A_67 = arith.constant 1.000000e+00 : f32
    %add3A_68 = vector.broadcast %add3A_67 : f32 to vector<1000x128xf32>
    %add3A_69 = arith.addf %add3A_68, %exp3A_66 : vector<1000x128xf32>
    %div3A = arith.constant 1.000000e+00 : f32
    %div3A_70 = vector.broadcast %div3A : f32 to vector<1000x128xf32>
    %div3A_71 = arith.divf %div3A_70, %add3A_69 : vector<1000x128xf32>
    %swap3A_72 = arith.constant 0 : index
    %swap3A_73 = arith.constant 0 : index
    %swap3A_74 = vector.load %arg11[%swap3A_72, %swap3A_73] : memref<1000x128xf32, #tpu.memory_space<vmem>>, vector<1000x128xf32>
    tpu.vector_store %arg11[%swap3A_72, %swap3A_73], %div3A_71 {strides = array<i32>} : memref<1000x128xf32, #tpu.memory_space<vmem>>, vector<1000x128xf32>,
    return
  }
  func.func @transform_0(%arg0: i32) -> (i32, i32, i32) {
    %c0_i32 = arith.constant 0 : i32
    %c0_i32_0 = arith.constant 0 : i32
    %c0_i32_1 = arith.constant 0 : i32
    return %c0_i32, %arg0, %c0_i32_0 : i32, i32, i32
  }
  func.func @transform_1(%arg0: i32) -> (i32, i32) {
    %c0_i32 = arith.constant 0 : i32
    %c0_i32_0 = arith.constant 0 : i32
    return %arg0, %c0_i32 : i32, i32
  }
  func.func @transform_2(%arg0: i32) -> (i32, i32) {
    %c0_i32 = arith.constant 0 : i32
    %c0_i32_0 = arith.constant 0 : i32
    %c0_i32_1 = arith.constant 0 : i32
    return %c0_i32, %c0_i32_0 : i32, i32
  }
  func.func @transform_3(%arg0: i32) -> (i32, i32) {
    %c0_i32 = arith.constant 0 : i32
    %c0_i32_0 = arith.constant 0 : i32
    %c0_i32_1 = arith.constant 0 : i32
    return %c0_i32, %c0_i32_0 : i32, i32
  }
  func.func @transform_4(%arg0: i32) -> (i32, i32) {
    %c0_i32 = arith.constant 0 : i32
    %c0_i32_0 = arith.constant 0 : i32
    %c0_i32_1 = arith.constant 0 : i32
    return %c0_i32, %c0_i32_0 : i32, i32
  }
  func.func @transform_5(%arg0: i32) -> (i32, i32) {
    %c0_i32 = arith.constant 0 : i32
    %c0_i32_0 = arith.constant 0 : i32
    %c0_i32_1 = arith.constant 0 : i32
    return %c0_i32, %c0_i32_0 : i32, i32
  }
  func.func @transform_6(%arg0: i32) -> (i32, i32) {
    %c0_i32 = arith.constant 0 : i32
    %c0_i32_0 = arith.constant 0 : i32
    %c0_i32_1 = arith.constant 0 : i32
    return %c0_i32, %c0_i32_0 : i32, i32
  }
  func.func @transform_7(%arg0: i32) -> (i32, i32) {
    %c0_i32 = arith.constant 0 : i32
    %c0_i32_0 = arith.constant 0 : i32
    %c0_i32_1 = arith.constant 0 : i32
    return %c0_i32, %c0_i32_0 : i32, i32
  }
  func.func @transform_8(%arg0: i32) -> (i32, i32) {
    %c0_i32 = arith.constant 0 : i32
    %c0_i32_0 = arith.constant 0 : i32
    return %arg0, %c0_i32 : i32, i32
  }
  func.func @transform_9(%arg0: i32) -> (i32, i32) {
    %c0_i32 = arith.constant 0 : i32
    %c0_i32_0 = arith.constant 0 : i32
    return %arg0, %c0_i32 : i32, i32
  }
  func.func @transform_10(%arg0: i32) -> (i32, i32) {
    %c0_i32 = arith.constant 0 : i32
    %c0_i32_0 = arith.constant 0 : i32
    return %arg0, %c0_i32 : i32, i32
  }
}

</mosaic_0001>

<sc_bundles>
// kernel: kernel.11.cloned.1.call-start
scs
__scs_entry_jumppad:
0x0: {  	(pc) =	sbr.rel $0x88, $3  }
0x1: {  	(tag) =	ssettag $0x0;
	lr =	simm.s32 $0x1  }
0x2: {  	[smem:$0x3F94] =	sst lr;
	_ =	strace $0xD0000000  }
0x3: {  	_ = 	snop  }
0x4: {  	_ = 	snop  }
0x5: {  	_ = 	snop  }
0x6: {  	_ = 	snop  }
0x7: {  	_ = 	snop  }
__scs_overlays_trampoline_lowered:
0x8: {  	[smem:$0x3FA3] =	sst s0  }
0x9: {  	[smem:$0x3FA4] =	sst s1  }
0xa: {  	[smem:$0x3FA5] =	sst s2  }
0xb: {  	[smem:$0x3FA6] =	sst s3  }
0xc: {  	[smem:$0x3FA7] =	sst s4  }
0xd: {  	[smem:$0x3FA8] =	sst s5  }
0xe: {  	[smem:$0x3FA9] =	sst s6  }
0xf: {  	[smem:$0x3FAA] =	sst s7  }
0x10: {  	[smem:$0x3FAB] =	sst s8  }
0x11: {  	[smem:$0x3FAC] =	sst s9;
	s0 =	simm.s32 @!p0 $0x0  }
0x12: {  	s1 =	sld [smem:$0x3F92];
	s0 =	simm.s32 @p0 $0x1  }
0x13: {  	[smem:$0x3FAD] =	sst s0;
	s0 =	simm.s32 @!p1 $0x0  }
0x14: {  	s2 =	sld [smem:$0x3F91];
	s0 =	simm.s32 @p1 $0x1  }
0x15: {  	[smem:$0x3FAE] =	sst s0;
	s0 =	simm.s32 @!p2 $0x0  }
0x16: {  	s3 =	sld [smem:$0x3FDB];
	s0 =	simm.s32 @p2 $0x1  }
0x17: {  	s4 =	simm.s32 $0x1BF5;
	[smem:$0x3FB0] =	sst s0  }
0x18: {  	s0 =	sld [smem:$0x3F93];
	_ =	swait.ge [sflag:s4], $0x0  }
0x19: {  	s7 =	sld [smem:$0x3F94]  }
0x1a: {  	s8 =	sadd.s32 $0xFFFFE003, lr  }
0x1b: {  	s9 =	sadd.s32 $0xFFFFFEF7, lr;
	s5 =	simm.s32 $0xFFFFFFFF;
	p2 =	slt.u32 s8, $0xFFFFF086  }
0x1c: {  	p1 =	slt.u32 s9, $0xF7A;
	s5 =	simm.s32 @!p2 $0x0  }
0x1d: {  	s5 =	simm.s32 @p1 $0x1;
	p0 =	seq.s32 s7, s2  }
0x1e: {  	s7 =	smul.u32 @!p0 $0xF7A, s2;
	p2 =	seq.s32 @!p0 s5, $0x0  }
0x1f: {  	s9 =	smul.u32 $0xF7A, s1;
	s8 =	simm.s32 @!p0 $0x1BF5;
	p2 =	por !p2, p0  }
0x20: {  	[sflag:s8] =	ssyncset.s32 @!p0 $0xFFFFF086;
	s6 =	sadd.s32 @!p0 s3, s7;
	s7 =	simm.s32 @!p0 $0x108  }
0x21: {  	s3 =	sadd.s32 s3, s9;
	s6 =	sadd.s32 @!p0 $0x88, s6;
	s7 =	simm.s32 @p2 $0x1082  }
0x22: {  	[simem:s7], [sflag:s8] =	dma.local @!p0 [hbm:s6], $0xF7A  }
0x23: {  	s9 =	sor.u32 $0xD0000000, s2;
	s6 =	simm.s32 $0x108;
	_ =	swait.ge @!p0 [sflag:s8], $0x0  }
0x24: {  	s3 =	sadd.s32 $0x88, s3;
	s6 =	simm.s32 @!p1 $0x1082;
	[sflag:s4] =	ssyncset.s32 $0xFFFFF086  }
0x25: {  	[simem:s6], [sflag:s4] =	dma.local [hbm:s3], $0xF7A  }
0x26: {  	[smem:$0x3F94] =	sst s1;
	(tag) =	ssettag s2;
	_ =	strace s9  }
0x27: {  	s1 =	sld [smem:$0x3FA4]  }
0x28: {  	s2 =	sld [smem:$0x3FA5]  }
0x29: {  	s4 =	sld [smem:$0x3FA7]  }
0x2a: {  	p0 =	seq.s32 s5, $0x0;
	s5 =	sld [smem:$0x3FA8]  }
0x2b: {  	s6 =	sld [smem:$0x3FA9]  }
0x2c: {  	s7 =	sld [smem:$0x3FAA]  }
0x2d: {  	s3 =	simm.s32 $0x108;
	s8 =	sld [smem:$0x3FAB]  }
0x2e: {  	s3 =	simm.s32 @!p0 $0x1082;
	s9 =	sld [smem:$0x3FAC]  }
0x2f: {  	lr =	sadd.s32 s0, s3;
	s0 =	sld [smem:$0x3FA3]  }
0x30: {  	s3 =	sld [smem:$0x3FA6]  }
0x31: {  	[smem:$0x3FAF] =	sst s10  }
0x32: {  	s10 =	sld [smem:$0x3FAD];
	_ =	sdelay $0x3  }
0x33: {  	p0 =	seq.s32 s10, $0x1;
	s10 =	sld [smem:$0x3FAF];
	_ =	sdelay $0x3  }
0x34: {  	[smem:$0x3FAF] =	sst s10  }
0x35: {  	s10 =	sld [smem:$0x3FAE];
	_ =	sdelay $0x3  }
0x36: {  	p1 =	seq.s32 s10, $0x1;
	s10 =	sld [smem:$0x3FAF];
	_ =	sdelay $0x3  }
0x37: {  	[smem:$0x3FAF] =	sst s10  }
0x38: {  	s10 =	sld [smem:$0x3FB0]  }
0x39: {  	_ = 	snop;
	(pc) =	sbr.ind lr, $3  }
0x3a: {  	_ = 	snop  }
0x3b: {  	_ = 	snop  }
0x3c: {  	p2 =	seq.s32 s10, $0x1;
	s10 =	sld [smem:$0x3FAF]  }
0x3d: {  	_ =	shalt  }
0x3e: {  	_ =	shalt  }
0x3f: {  	_ =	shalt  }
0x40: {  	_ =	shalt  }
0x41: {  	_ =	shalt  }
0x42: {  	_ =	shalt  }
0x43: {  	_ =	shalt  }
0x44: {  	_ =	shalt  }
0x45: {  	_ =	shalt  }
0x46: {  	_ =	shalt  }
0x47: {  	_ =	shalt  }
0x48: {  	_ =	shalt  }
0x49: {  	_ =	shalt  }
0x4a: {  	_ =	shalt  }
0x4b: {  	_ =	shalt  }
0x4c: {  	_ =	shalt  }
0x4d: {  	_ =	shalt  }
0x4e: {  	_ =	shalt  }
0x4f: {  	_ =	shalt  }
0x50: {  	_ =	shalt  }
0x51: {  	_ =	shalt  }
0x52: {  	_ =	shalt  }
0x53: {  	_ =	shalt  }
0x54: {  	_ =	shalt  }
0x55: {  	_ =	shalt  }
0x56: {  	_ =	shalt  }
0x57: {  	_ =	shalt  }
0x58: {  	_ =	shalt  }
0x59: {  	_ =	shalt  }
0x5a: {  	_ =	shalt  }
0x5b: {  	_ =	shalt  }
0x5c: {  	_ =	shalt  }
0x5d: {  	_ =	shalt  }
0x5e: {  	_ =	shalt  }
0x5f: {  	_ =	shalt  }
0x60: {  	_ =	shalt  }
0x61: {  	_ =	shalt  }
0x62: {  	_ =	shalt  }
0x63: {  	_ =	shalt  }
0x64: {  	_ =	shalt  }
0x65: {  	_ =	shalt  }
0x66: {  	_ =	shalt  }
0x67: {  	_ =	shalt  }
0x68: {  	_ =	shalt  }
0x69: {  	_ =	shalt  }
0x6a: {  	_ =	shalt  }
0x6b: {  	_ =	shalt  }
0x6c: {  	_ =	shalt  }
0x6d: {  	_ =	shalt  }
0x6e: {  	_ =	shalt  }
0x6f: {  	_ =	shalt  }
0x70: {  	_ =	shalt  }
0x71: {  	_ =	shalt  }
0x72: {  	_ =	shalt  }
0x73: {  	_ =	shalt  }
0x74: {  	_ =	shalt  }
0x75: {  	_ =	shalt  }
0x76: {  	_ =	shalt  }
0x77: {  	_ =	shalt  }
0x78: {  	_ =	shalt  }
0x79: {  	_ =	shalt  }
0x7a: {  	_ =	shalt  }
0x7b: {  	_ =	shalt  }
0x7c: {  	_ =	shalt  }
0x7d: {  	_ =	shalt  }
0x7e: {  	_ =	shalt  }
0x7f: {  	_ =	shalt  }
0x80: {  	_ =	shalt  }
0x81: {  	_ =	shalt  }
0x82: {  	_ =	shalt  }
0x83: {  	_ =	shalt  }
0x84: {  	_ =	shalt  }
0x85: {  	_ =	shalt  }
0x86: {  	_ =	shalt  }
0x87: {  	_ =	shalt  }
.Lfunc_end0:
.L_simem_size_0:
called_computation.1_lowered:
.L_overlay_start_0:
0x88: {  	s2 =	sld [smem:$0x3FD9]  }
0x89: {  	s3 =	sld [smem:$0x3FFE];
	_ =	sdelay $0x1  }
0x8a: {  	s1 =	srdreg.scid  }
0x8b: {  	s0 =	sand.u32 $0x1, s1  }
0x8c: {  	s14 =	sshll.u32 s0, $0xA;
	s2 =	sadd.s32 s3, s2  }
0x8d: {  	s2 =	sadd.s32 s2, s14  }
0x8e: {  	[smem:$0x3FBB] =	sst s2  }
0x8f: {  	_ = 	snop  }
0x90: {  	s2 =	sld [smem:$0x3FD0];
	_ =	sdelay $0x2  }
0x91: {  	s15 =	simm.s32 $0xA;
	s4 =	simm.s32 $0x10  }
0x92: {  	[smem:s4], [sflag:s15] =	dma.local [hbm:s2], $0x1  }
0x93: {  	_ =	swait.eq [sflag:s15], $0x1  }
0x94: {  	s16 =	sld [smem:$0x10];
	[sflag:s15] =	ssyncset.done $0x0  }
0x95: {  	s17 =	sld [smem:$0x11];
	[sflag:s15] =	ssyncadd.s32 $0xFFFFFFFF  }
0x96: {  	s18 =	sld [smem:$0x12];
	(tm) =	ssettm $0x1  }
0x97: {  	s5 =	sld [smem:$0x3FFB];
	_ =	sdelay $0x3  }
0x98: {  	_ =	strace s5  }
0x99: {  	s5 =	sld [smem:$0x3FFC];
	_ =	sdelay $0x3  }
0x9a: {  	_ =	strace s5  }
0x9b: {  	s5 =	sld [smem:$0x3FFD];
	_ =	sdelay $0x3  }
0x9c: {  	_ =	strace s5  }
0x9d: {  	_ =	strace $0x8FFFFFFF  }
0x9e: {  	s19 =	sld [smem:$0x3FDB];
	_ =	sdelay $0x1  }
0x9f: {  	s6 =	simm.s32 $_scs_section_size  }
0xa0: {  	s7 =	simm.s32 $_size__tile_overlayer_lowered;
	s8 =	simm.s32 $_tile_overlayer_lowered  }
0xa1: {  	s22 =	simm.s32 $0x1BFF;
	s21 =	sshll.u32 s8, $0x1;
	s5 =	sadd.s32 s6, s19  }
0xa2: {  	s9 =	simm.s32 $0x0;
	s20 =	sshll.u32 s7, $0x1;
	s7 =	sadd.s32 s21, s5  }
0xa3: {  	[timem:s9], [sflag:s22] =	dma.local [hbm:s7], s20  }
0xa4: {  	_ =	swait.ge [sflag:s22], s20  }
0xa5: {  	s6 =	ssub.s32 $0x0, s20;
	[sflag:s22] =	ssyncset.done $0x0  }
0xa6: {  	[sflag:s22] =	ssyncadd.s32 s6;
	_ =	sdelay $0x1  }
0xa7: {  	s23 =	simm.s32 $0x1B8B  }
0xa8: {  	_ =	swait.ge [sflag:s23], $0x1  }
0xa9: {  	[sflag:s23] =	ssyncset.done $0x0  }
0xaa: {  	s25 =	simm.s32 $0x1B8E;
	s24 =	sld [smem:$0x3FFE];
	[sflag:s23] =	ssyncadd.s32 $0xFFFFFFFF  }
0xab: {  	s26 =	simm.s32 $execute0_lowered;
	[smem:$0x3FD2] =	sst s25  }
0xac: {  	s7 =	sshll.u32 s26, $0x1;
	_ =	strace $0x80000049;
	[dreg:$0x1] =	wrdreg $0xFFFFFFFF  }
0xad: {  	s28 =	simm.s32 $_size_execute0_lowered;
	s5 =	sadd.s32 s5, s7;
	[dreg:$0x0] =	wrdreg $0x0  }
0xae: {  	s7 =	sshll.u32 s28, $0x1;
	[dreg:$0x2] =	wrdreg s5  }
0xaf: {  	[dreg:$0x3] =	wrdreg s7  }
0xb0: {  	[dreg:$0x4] =	wrdreg $0xC0  }
0xb1: {  	_ =	task [dreg:s9], $0x5FFFF  }
0xb2: {  	[dreg:$0x1] =	wrdreg $0xFFFFFFFF  }
0xb3: {  	[dreg:$0x0] =	wrdreg $0x60  }
0xb4: {  	[dreg:$0x2] =	wrdreg s16  }
0xb5: {  	[dreg:$0x3] =	wrdreg s17  }
0xb6: {  	[dreg:$0x4] =	wrdreg s24  }
0xb7: {  	[dreg:$0x5] =	wrdreg s18  }
0xb8: {  	[dreg:$0x6] =	wrdreg $0xB0000  }
0xb9: {  	[dreg:$0x7] =	wrdreg $0x128000  }
0xba: {  	[dreg:$0x8] =	wrdreg $0x9  }
0xbb: {  	_ =	task.clear_ibuf [dreg:s9], $0x9FFFF;
	_ =	strace $0x90000049  }
0xbc: {  	s29 =	simm.s32 $0x9;
	_ =	strace $0x8000004B  }
0xbd: {  	_ =	swait.ge [sflag:s29], $0x1  }
0xbe: {  	[sflag:s29] =	ssyncadd.s32 $0xFFFFFFFF  }
0xbf: {  	_ =	strace $0x9000004B  }
0xc0: {  	_ =	sfence  }
0xc1: {  	s30 =	sld [smem:$0x0];
	_ =	sdelay $0x2  }
0xc2: {  	s31 =	sshll.u32 s1, $0xD;
	s1 =	sshrl.u32 s1, $0x2  }
0xc3: {  	s3 =	sand.u32 $0x4000, s31;
	s1 =	sadd.s32 s1, s30  }
0xc4: {  	s0 =	sor.u32 s3, s0;
	s1 =	sshll.u32 s1, $0x11  }
0xc5: {  	s0 =	sor.u32 s1, s0  }
0xc6: {  	s0 =	sadd.s32 $0x8F2B, s0  }
0xc7: {  	[sflag:s0] =	ssyncadd.remote.s32 $0x1  }
0xc8: {  	_ =	sfence.sel $0xFFFF  }
0xc9: {  	[dreg:$0x0] =	wrdreg $0xFFFFFFFF;
	(pc) =	sbr.abs _section_cstart, $3  }
0xca: {  	[dreg:$0x1] =	wrdreg $0xFFFFFFFF  }
0xcb: {  	_ =	task.clear_ibuf [dreg:s9], $0x2FFFF;
	_ =	strace $0x9FFFFFFF  }
0xcc: {  	(tm) =	ssettm $0x7FFFFFFF  }
0xcd: {  	_ =	shalt  }
tec
execute0_lowered:
.L_overlay_start_1:
0x0: {  	(tag) =	ssettag $0x1  }
0x1: {  	s0 =	rddreg [dreg:$0x0]  }
0x2: {  	s1 =	rddreg [dreg:$0x1]  }
0x3: {  	s5 =	rddreg [dreg:$0x2]  }
0x4: {  	s9 =	rddreg [dreg:$0x3]  }
0x5: {  	s2 =	rddreg [dreg:$0x4]  }
0x6: {  	s3 =	rddreg [dreg:$0x5];
	s15 =	stileid.u32  }
0x7: {  	s6 =	srdreg.scid;
	s4 =	simm.s32 $0x0;
	s16 =	simm.s32 $0x1  }
0x8: {  	s17 =	simm.s32 $0x6;
	s18 =	simm.s32 $0x10;
	s28 =	simm.s32 $0x9800  }
0x9: {  	s29 =	simm.s32 $0x2;
	s30 =	simm.s32 $0x3;
	s31 =	simm.s32 $0x4  }
0xa: {  	s7 =	smul.u32 $0x14000, s15;
	s12 =	sand.u32 $0x1, s6;
	[smem:$0x7FF] =	sst s4  }
0xb: {  	s10 =	sshll.u32 s15, $0x1;
	s13 =	smul.u32 $0x7800, s15;
	s26 =	sshll.u32 s15, $0x6  }
0xc: {  	s6 =	smul.u32 $0x140000, s12;
	_ =	strace $0x8000004A;
	s21 =	sor.u32 s12, s10  }
0xd: {  	s22 =	ssub.s32 $0x2, s12;
	p0 =	sne.s32 s12, $0x0;
	s12 =	simm.s32 $0x5  }
0xe: {  	s8 =	sshrl.u32 s7, $0x3;
	s23 =	sshrl.u32 s22, $0x1;
	s24 =	sadd.s32 s13, s2  }
0xf: {  	s25 =	sshrl.u32 s13, $0x3;
	s8 =	sadd.s32 s8, s5;
	s6 =	sadd.s32 s7, s6  }
0x10: {  	s7 =	smul.u32 $0x500, s21;
	s14 =	ssub.s32 s22, s23;
	s9 =	sadd.s32 s9, s25  }
0x11: {  	s15 =	sshrl.u32 s24, $0x3;
	s21 =	simm.s32 $0x80;
	s22 =	simm.s32 $0x5000  }
0x12: {  	s23 =	simm.s32 $0x6800;
	s25 =	simm.s32 $0x8000;
	s6 =	sshrl.u32 s6, $0x3  }
0x13: {  	s24 =	simm.s32 $0x4F80;
	s11 =	sadd.s32 s6, s5;
	s5 =	sadd.s32 s0, s7  }
0x14: {  	s6 =	sadd.s32 s1, s7;
	s7 =	sadd.s32 $0x3800, s8;
	s8 =	sadd.s32 s13, s3  }
0x15: {  	s10 =	sadd.s32 $0x53800, s11;
	s11 =	smax.u32 s14, $0x1;
	s14 =	sor.u32 $0x1C05, s26  }
0x16: {  	s19 =	sshrl.u32 @p0 s8, $0x3;
	s20 =	sshrl.u32 @!p0 s8, $0x3;
	s26 =	simm.s32 $0x0  }
.LBB2_1:
0x17: {  	[tilespmem:s4], [sflag:$0x5] =	stream.linear.gather [hbm4b:s5+s4], $0x2800, $0x38;
	[tilespmem:$0x1A000] =	vst v63  }
0x18: {  	_ =	swait.ge [sflag:s12], $0x2800  }
0x19: {  	[sflag:s12] =	ssyncset.done $0x0  }
0x1a: {  	s0 =	simm.s32 $0x2800;
	[sflag:s12] =	ssyncadd.s32 $0xFFFFD800  }
0x1b: {  	[tilespmem:s0], [sflag:$0x5] =	stream.linear.gather [hbm4b:s6+s4], $0x2800, $0x38;
	[tilespmem:$0x1A000] =	vst v63  }
0x1c: {  	_ =	swait.ge [sflag:s12], $0x2800  }
0x1d: {  	[sflag:s12] =	ssyncset.done $0x0  }
0x1e: {  	[sflag:s12] =	ssyncadd.s32 $0xFFFFD800  }
0x1f: {  	[spmem:s15@s17], [sflag:s14] =	dma.strided [hbm:s7@s18], $0xF00, s16, $0x6   }
0x20: {  	_ =	swait.ge [sflag:s12], $0xF00  }
0x21: {  	s1 =	simm.s32 @!p0 $0x6;
	[sflag:s12] =	ssyncset.done $0x0  }
0x22: {  	s13 =	simm.s32 @!p0 $0x10;
	s0 =	simm.s32 @!p0 $0x1;
	[sflag:s12] =	ssyncadd.s32 $0xFFFFF100  }
0x23: {  	[spmem:s19], [sflag:s14] =	dma.local @p0 [hbm:s9], $0xF00  }
0x24: {  	[spmem:s20@s1], [sflag:s14] =	dma.strided @!p0 [hbm:s7@s13], $0xF00, s0, $0x6   }
0x25: {  	_ =	swait.ge [sflag:s12], $0xF00  }
0x26: {  	[sflag:s12] =	ssyncset.done $0x0  }
0x27: {  	[sflag:s12] =	ssyncadd.s32 $0xFFFFF100  }
0x28: {  	[bflag:$0x0] =	sbarrier.arrive $0xFFFF  }
0x29: {  	[tilespmem:s22], [sflag:$0x1] =	stream.indirect.gather [spmem:s2], $0x30, s4, s21, $0xb8;
	[tilespmem:$0x1A000] =	vst v63  }
0x2a: {  	_ = 	snop  }
0x2b: {  	[tilespmem:s23], [sflag:$0x2] =	stream.indirect.gather [spmem:s2], $0x30, s21, s21, $0xb8;
	[tilespmem:$0x1A000] =	vst v63  }
0x2c: {  	s13 =	simm.s32 $0x100  }
0x2d: {  	[tilespmem:s25], [sflag:$0x3] =	stream.indirect.gather [spmem:s2], $0x30, s13, s21, $0xb8;
	[tilespmem:$0x1A000] =	vst v63  }
0x2e: {  	s1 =	simm.s32 $0x180  }
0x2f: {  	[tilespmem:s28], [sflag:$0x4] =	stream.indirect.gather [spmem:s2], $0x30, s1, s21, $0xb8;
	[tilespmem:$0x1A000] =	vst v63  }
0x30: {  	_ =	swait.ge [sflag:s16], $0x1800  }
0x31: {  	[sflag:s16] =	ssyncset.done $0x0  }
0x32: {  	s13 =	simm.s32 $0x2800;
	[sflag:s16] =	ssyncadd.s32 $0xFFFFE800  }
0x33: {  	[spmem:s3] =	stream.indirect.scatter.add.f32 [tilespmem:s22], [sflag:$0x5], $0x30, s13, s21, $0xb8;
	[tilespmem:$0x1A000] =	vst v63  }
0x34: {  	_ =	swait.ge [sflag:s12], $0x1800  }
0x35: {  	[sflag:s12] =	ssyncset.done $0x0  }
0x36: {  	s1 =	simm.s32 $0x200;
	[sflag:s12] =	ssyncadd.s32 $0xFFFFE800  }
0x37: {  	[tilespmem:s22], [sflag:$0x1] =	stream.indirect.gather [spmem:s2], $0x30, s1, s21, $0xb8;
	[tilespmem:$0x1A000] =	vst v63  }
0x38: {  	_ =	swait.ge [sflag:s29], $0x1800  }
0x39: {  	[sflag:s29] =	ssyncset.done $0x0  }
0x3a: {  	s13 =	simm.s32 $0x2880;
	[sflag:s29] =	ssyncadd.s32 $0xFFFFE800  }
0x3b: {  	[spmem:s3] =	stream.indirect.scatter.add.f32 [tilespmem:s23], [sflag:$0x5], $0x30, s13, s21, $0xb8;
	[tilespmem:$0x1A000] =	vst v63  }
0x3c: {  	_ =	swait.ge [sflag:s12], $0x1800  }
0x3d: {  	[sflag:s12] =	ssyncset.done $0x0  }
0x3e: {  	s1 =	simm.s32 $0x280;
	[sflag:s12] =	ssyncadd.s32 $0xFFFFE800  }
0x3f: {  	[tilespmem:s23], [sflag:$0x2] =	stream.indirect.gather [spmem:s2], $0x30, s1, s21, $0xb8;
	[tilespmem:$0x1A000] =	vst v63  }
0x40: {  	_ =	swait.ge [sflag:s30], $0x1800  }
0x41: {  	[sflag:s30] =	ssyncset.done $0x0  }
0x42: {  	s13 =	simm.s32 $0x2900;
	[sflag:s30] =	ssyncadd.s32 $0xFFFFE800  }
0x43: {  	[spmem:s3] =	stream.indirect.scatter.add.f32 [tilespmem:s25], [sflag:$0x5], $0x30, s13, s21, $0xb8;
	[tilespmem:$0x1A000] =	vst v63  }
0x44: {  	_ =	swait.ge [sflag:s12], $0x1800  }
0x45: {  	[sflag:s12] =	ssyncset.done $0x0  }
0x46: {  	s1 =	simm.s32 $0x300;
	[sflag:s12] =	ssyncadd.s32 $0xFFFFE800  }
0x47: {  	[tilespmem:s25], [sflag:$0x3] =	stream.indirect.gather [spmem:s2], $0x30, s1, s21, $0xb8;
	[tilespmem:$0x1A000] =	vst v63  }
0x48: {  	_ =	swait.ge [sflag:s31], $0x1800  }
0x49: {  	[sflag:s31] =	ssyncset.done $0x0  }
0x4a: {  	s13 =	simm.s32 $0x2980;
	[sflag:s31] =	ssyncadd.s32 $0xFFFFE800  }
0x4b: {  	[spmem:s3] =	stream.indirect.scatter.add.f32 [tilespmem:s28], [sflag:$0x5], $0x30, s13, s21, $0xb8;
	[tilespmem:$0x1A000] =	vst v63  }
0x4c: {  	_ =	swait.ge [sflag:s12], $0x1800  }
0x4d: {  	[sflag:s12] =	ssyncset.done $0x0  }
0x4e: {  	s0 =	simm.s32 $0x800;
	s1 =	simm.s32 $0x380;
	[sflag:s12] =	ssyncadd.s32 $0xFFFFE800  }
.LBB2_2:
0x4f: {  	[tilespmem:s28], [sflag:$0x4] =	stream.indirect.gather [spmem:s2], $0x30, s1, s21, $0xb8;
	[tilespmem:$0x1A000] =	vst v63  }
0x50: {  	s1 =	smov.u32 s0  }
0x51: {  	p1 =	sne.s32 s0, $0x9000;
	s0 =	sadd.s32 $0x800, s0;
	_ =	swait.ge [sflag:s16], $0x1800  }
0x52: {  	s1 =	sshra.s32 s1, $0x2;
	[sflag:s16] =	ssyncset.done $0x0  }
0x53: {  	s13 =	sadd.s32 $0x2800, s1;
	[sflag:s16] =	ssyncadd.s32 $0xFFFFE800  }
0x54: {  	[spmem:s3] =	stream.indirect.scatter.add.f32 [tilespmem:s22], [sflag:$0x5], $0x30, s13, s21, $0xb8;
	[tilespmem:$0x1A000] =	vst v63  }
0x55: {  	_ =	swait.ge [sflag:s12], $0x1800  }
0x56: {  	[sflag:s12] =	ssyncset.done $0x0  }
0x57: {  	s13 =	sadd.s32 $0x200, s1;
	[sflag:s12] =	ssyncadd.s32 $0xFFFFE800  }
0x58: {  	[tilespmem:s22], [sflag:$0x1] =	stream.indirect.gather [spmem:s2], $0x30, s13, s21, $0xb8;
	[tilespmem:$0x1A000] =	vst v63  }
0x59: {  	_ =	swait.ge [sflag:s29], $0x1800  }
0x5a: {  	[sflag:s29] =	ssyncset.done $0x0  }
0x5b: {  	s13 =	sadd.s32 $0x2880, s1;
	[sflag:s29] =	ssyncadd.s32 $0xFFFFE800  }
0x5c: {  	[spmem:s3] =	stream.indirect.scatter.add.f32 [tilespmem:s23], [sflag:$0x5], $0x30, s13, s21, $0xb8;
	[tilespmem:$0x1A000] =	vst v63  }
0x5d: {  	_ =	swait.ge [sflag:s12], $0x1800  }
0x5e: {  	[sflag:s12] =	ssyncset.done $0x0  }
0x5f: {  	s13 =	sadd.s32 $0x280, s1;
	[sflag:s12] =	ssyncadd.s32 $0xFFFFE800  }
0x60: {  	[tilespmem:s23], [sflag:$0x2] =	stream.indirect.gather [spmem:s2], $0x30, s13, s21, $0xb8;
	[tilespmem:$0x1A000] =	vst v63  }
0x61: {  	_ =	swait.ge [sflag:s30], $0x1800  }
0x62: {  	[sflag:s30] =	ssyncset.done $0x0  }
0x63: {  	s13 =	sadd.s32 $0x2900, s1;
	[sflag:s30] =	ssyncadd.s32 $0xFFFFE800  }
0x64: {  	[spmem:s3] =	stream.indirect.scatter.add.f32 [tilespmem:s25], [sflag:$0x5], $0x30, s13, s21, $0xb8;
	[tilespmem:$0x1A000] =	vst v63  }
0x65: {  	_ =	swait.ge [sflag:s12], $0x1800  }
0x66: {  	[sflag:s12] =	ssyncset.done $0x0  }
0x67: {  	s13 =	sadd.s32 $0x300, s1;
	[sflag:s12] =	ssyncadd.s32 $0xFFFFE800  }
0x68: {  	[tilespmem:s25], [sflag:$0x3] =	stream.indirect.gather [spmem:s2], $0x30, s13, s21, $0xb8;
	[tilespmem:$0x1A000] =	vst v63  }
0x69: {  	_ =	swait.ge [sflag:s31], $0x1800  }
0x6a: {  	[sflag:s31] =	ssyncset.done $0x0  }
.Ltmp0:
0x6b: {  	s13 =	sadd.s32 $0x2980, s1;
	[sflag:s31] =	ssyncadd.s32 $0xFFFFE800;
	(pc) =	sbr.rel @p1 .LBB2_2-.Ltmp0, $4  }
0x6c: {  	[spmem:s3] =	stream.indirect.scatter.add.f32 [tilespmem:s28], [sflag:$0x5], $0x30, s13, s21, $0xb8;
	[tilespmem:$0x1A000] =	vst v63  }
0x6d: {  	_ =	swait.ge [sflag:s12], $0x1800  }
0x6e: {  	[sflag:s12] =	ssyncset.done $0x0  }
0x6f: {  	s1 =	sadd.s32 $0x380, s1;
	[sflag:s12] =	ssyncadd.s32 $0xFFFFE800  }
0x70: {  	[tilespmem:s28], [sflag:$0x4] =	stream.indirect.gather [spmem:s2], $0x30, s1, s21, $0xb8;
	[tilespmem:$0x1A000] =	vst v63  }
0x71: {  	_ =	swait.ge [sflag:s16], $0x1800  }
0x72: {  	[sflag:s16] =	ssyncset.done $0x0  }
0x73: {  	s0 =	simm.s32 $0x4E00;
	[sflag:s16] =	ssyncadd.s32 $0xFFFFE800  }
0x74: {  	[spmem:s3] =	stream.indirect.scatter.add.f32 [tilespmem:s22], [sflag:$0x5], $0x30, s0, s21, $0xb8;
	[tilespmem:$0x1A000] =	vst v63  }
0x75: {  	_ =	swait.ge [sflag:s12], $0x1800  }
0x76: {  	[sflag:s12] =	ssyncset.done $0x0  }
0x77: {  	[sflag:s12] =	ssyncadd.s32 $0xFFFFE800  }
0x78: {  	_ =	swait.ge [sflag:s29], $0x1800  }
0x79: {  	[sflag:s29] =	ssyncset.done $0x0  }
0x7a: {  	s13 =	simm.s32 $0x4E80;
	[sflag:s29] =	ssyncadd.s32 $0xFFFFE800  }
0x7b: {  	[spmem:s3] =	stream.indirect.scatter.add.f32 [tilespmem:s23], [sflag:$0x5], $0x30, s13, s21, $0xb8;
	[tilespmem:$0x1A000] =	vst v63  }
0x7c: {  	_ =	swait.ge [sflag:s12], $0x1800  }
0x7d: {  	[sflag:s12] =	ssyncset.done $0x0  }
0x7e: {  	[sflag:s12] =	ssyncadd.s32 $0xFFFFE800  }
0x7f: {  	_ =	swait.ge [sflag:s30], $0x1800  }
0x80: {  	[sflag:s30] =	ssyncset.done $0x0  }
0x81: {  	s1 =	simm.s32 $0x4F00;
	[sflag:s30] =	ssyncadd.s32 $0xFFFFE800  }
0x82: {  	[spmem:s3] =	stream.indirect.scatter.add.f32 [tilespmem:s25], [sflag:$0x5], $0x30, s1, s21, $0xb8;
	[tilespmem:$0x1A000] =	vst v63  }
0x83: {  	_ =	swait.ge [sflag:s12], $0x1800  }
0x84: {  	[sflag:s12] =	ssyncset.done $0x0  }
0x85: {  	[sflag:s12] =	ssyncadd.s32 $0xFFFFE800  }
0x86: {  	_ =	swait.ge [sflag:s31], $0x1800  }
0x87: {  	[sflag:s31] =	ssyncset.done $0x0  }
0x88: {  	[sflag:s31] =	ssyncadd.s32 $0xFFFFE800  }
0x89: {  	[spmem:s3] =	stream.indirect.scatter.add.f32 [tilespmem:s28], [sflag:$0x5], $0x30, s24, s21, $0xb8;
	[tilespmem:$0x1A000] =	vst v63  }
0x8a: {  	_ =	swait.ge [sflag:s12], $0x1800  }
0x8b: {  	s26 =	sadd.s32 $0x1, s26;
	[sflag:s12] =	ssyncset.done $0x0  }
0x8c: {  	p1 =	sne.s32 s26, s11;
	[sflag:s12] =	ssyncadd.s32 $0xFFFFE800  }
.Ltmp1:
0x8d: {  	s13 =	sshrl.u32 s8, $0x3;
	[bflag:$0x0] =	sbarrier.arrive $0xFFFF;
	(pc) =	sbr.rel @p1 .LBB2_1-.Ltmp1, $4  }
0x8e: {  	[hbm:s10@s18], [sflag:s14] =	dma.strided [spmem:s13@s17], $0xF00, s16, $0x6   }
0x8f: {  	_ =	swait.ge [sflag:s12], $0xF00  }
0x90: {  	[sflag:s12] =	ssyncset.done $0x0  }
0x91: {  	[sflag:s12] =	ssyncadd.s32 $0xFFFFF100  }
0x92: {  	_ =	sfence.sel $0x180000  }
0x93: {  	[bflag:$0x0] =	sbarrier.arrive $0xFFFF  }
0x94: {  	_ =	strace $0x9000004A  }
0x95: {  	s0 =	stileid.u32;
	[bflag:$0x2] =	sbarrier.arrive $0xFFFF  }
0x96: {  	p0 =	sne.s32 s0, $0x0;
	s0 =	rddreg [dreg:$0x6]  }
0x97: {  	s0 =	sadd.s32 @!p0 $0x100000, s0  }
0x98: {  	[sflag:s0] =	ssyncadd.tile.s32 @!p0 $0x1;
	_ =	shalt  }
.Lfunc_end2:
_tile_overlayer_lowered:
.L_overlay_start_2:
0x99: {  	(tag) =	ssettag $0x2  }
0x9a: {  	s0 =	rddreg [dreg:$0x0];
	s2 =	stileid.u32  }
0x9b: {  	s1 =	rddreg [dreg:$0x1];
	p0 =	sne.s32 s2, $0x0  }
0x9c: {  	s3 =	rddreg [dreg:$0x2];
	[bflag:$0x3] =	sbarrier.arrive $0xFFFF;
	s2 =	simm.s32 @!p0 $0x1C05  }
0x9d: {  	[timem:s3], [sflag:s2] =	dma.local @!p0 [hbm:s0], s1  }
0x9e: {  	s0 =	simm.s32 @!p0 $0x5  }
0x9f: {  	_ =	swait.ge @!p0 [sflag:s0], s1  }
0xa0: {  	s1 =	ssub.s32 @!p0 $0x0, s1;
	[sflag:s0] =	ssyncset.done @!p0 $0x0  }
0xa1: {  	[sflag:s0] =	ssyncadd.s32 @!p0 s1  }
0xa2: {  	[bflag:$0x3] =	sbarrier.arrive $0xFFFF  }
0xa3: {  	_ =	shalt  }

// kernel: kernel.14.cloned.1.call-start
scs
__scs_entry_jumppad:
0x0: {  	(pc) =	sbr.rel $0x88, $3  }
0x1: {  	(tag) =	ssettag $0x0;
	lr =	simm.s32 $0x1  }
0x2: {  	[smem:$0x3F94] =	sst lr;
	_ =	strace $0xD0000000  }
0x3: {  	_ = 	snop  }
0x4: {  	_ = 	snop  }
0x5: {  	_ = 	snop  }
0x6: {  	_ = 	snop  }
0x7: {  	_ = 	snop  }
__scs_overlays_trampoline_lowered:
0x8: {  	[smem:$0x3FA3] =	sst s0  }
0x9: {  	[smem:$0x3FA4] =	sst s1  }
0xa: {  	[smem:$0x3FA5] =	sst s2  }
0xb: {  	[smem:$0x3FA6] =	sst s3  }
0xc: {  	[smem:$0x3FA7] =	sst s4  }
0xd: {  	[smem:$0x3FA8] =	sst s5  }
0xe: {  	[smem:$0x3FA9] =	sst s6  }
0xf: {  	[smem:$0x3FAA] =	sst s7  }
0x10: {  	[smem:$0x3FAB] =	sst s8  }
0x11: {  	[smem:$0x3FAC] =	sst s9;
	s0 =	simm.s32 @!p0 $0x0  }
0x12: {  	s1 =	sld [smem:$0x3F92];
	s0 =	simm.s32 @p0 $0x1  }
0x13: {  	[smem:$0x3FAD] =	sst s0;
	s0 =	simm.s32 @!p1 $0x0  }
0x14: {  	s2 =	sld [smem:$0x3F91];
	s0 =	simm.s32 @p1 $0x1  }
0x15: {  	[smem:$0x3FAE] =	sst s0;
	s0 =	simm.s32 @!p2 $0x0  }
0x16: {  	s3 =	sld [smem:$0x3FDB];
	s0 =	simm.s32 @p2 $0x1  }
0x17: {  	s4 =	simm.s32 $0x1BF5;
	[smem:$0x3FB0] =	sst s0  }
0x18: {  	s0 =	sld [smem:$0x3F93];
	_ =	swait.ge [sflag:s4], $0x0  }
0x19: {  	s7 =	sld [smem:$0x3F94]  }
0x1a: {  	s8 =	sadd.s32 $0xFFFFE003, lr  }
0x1b: {  	s9 =	sadd.s32 $0xFFFFFEF7, lr;
	s5 =	simm.s32 $0xFFFFFFFF;
	p2 =	slt.u32 s8, $0xFFFFF086  }
0x1c: {  	p1 =	slt.u32 s9, $0xF7A;
	s5 =	simm.s32 @!p2 $0x0  }
0x1d: {  	s5 =	simm.s32 @p1 $0x1;
	p0 =	seq.s32 s7, s2  }
0x1e: {  	s7 =	smul.u32 @!p0 $0xF7A, s2;
	p2 =	seq.s32 @!p0 s5, $0x0  }
0x1f: {  	s9 =	smul.u32 $0xF7A, s1;
	s8 =	simm.s32 @!p0 $0x1BF5;
	p2 =	por !p2, p0  }
0x20: {  	[sflag:s8] =	ssyncset.s32 @!p0 $0xFFFFF086;
	s6 =	sadd.s32 @!p0 s3, s7;
	s7 =	simm.s32 @!p0 $0x108  }
0x21: {  	s3 =	sadd.s32 s3, s9;
	s6 =	sadd.s32 @!p0 $0x88, s6;
	s7 =	simm.s32 @p2 $0x1082  }
0x22: {  	[simem:s7], [sflag:s8] =	dma.local @!p0 [hbm:s6], $0xF7A  }
0x23: {  	s9 =	sor.u32 $0xD0000000, s2;
	s6 =	simm.s32 $0x108;
	_ =	swait.ge @!p0 [sflag:s8], $0x0  }
0x24: {  	s3 =	sadd.s32 $0x88, s3;
	s6 =	simm.s32 @!p1 $0x1082;
	[sflag:s4] =	ssyncset.s32 $0xFFFFF086  }
0x25: {  	[simem:s6], [sflag:s4] =	dma.local [hbm:s3], $0xF7A  }
0x26: {  	[smem:$0x3F94] =	sst s1;
	(tag) =	ssettag s2;
	_ =	strace s9  }
0x27: {  	s1 =	sld [smem:$0x3FA4]  }
0x28: {  	s2 =	sld [smem:$0x3FA5]  }
0x29: {  	s4 =	sld [smem:$0x3FA7]  }
0x2a: {  	p0 =	seq.s32 s5, $0x0;
	s5 =	sld [smem:$0x3FA8]  }
0x2b: {  	s6 =	sld [smem:$0x3FA9]  }
0x2c: {  	s7 =	sld [smem:$0x3FAA]  }
0x2d: {  	s3 =	simm.s32 $0x108;
	s8 =	sld [smem:$0x3FAB]  }
0x2e: {  	s3 =	simm.s32 @!p0 $0x1082;
	s9 =	sld [smem:$0x3FAC]  }
0x2f: {  	lr =	sadd.s32 s0, s3;
	s0 =	sld [smem:$0x3FA3]  }
0x30: {  	s3 =	sld [smem:$0x3FA6]  }
0x31: {  	[smem:$0x3FAF] =	sst s10  }
0x32: {  	s10 =	sld [smem:$0x3FAD];
	_ =	sdelay $0x3  }
0x33: {  	p0 =	seq.s32 s10, $0x1;
	s10 =	sld [smem:$0x3FAF];
	_ =	sdelay $0x3  }
0x34: {  	[smem:$0x3FAF] =	sst s10  }
0x35: {  	s10 =	sld [smem:$0x3FAE];
	_ =	sdelay $0x3  }
0x36: {  	p1 =	seq.s32 s10, $0x1;
	s10 =	sld [smem:$0x3FAF];
	_ =	sdelay $0x3  }
0x37: {  	[smem:$0x3FAF] =	sst s10  }
0x38: {  	s10 =	sld [smem:$0x3FB0]  }
0x39: {  	_ = 	snop;
	(pc) =	sbr.ind lr, $3  }
0x3a: {  	_ = 	snop  }
0x3b: {  	_ = 	snop  }
0x3c: {  	p2 =	seq.s32 s10, $0x1;
	s10 =	sld [smem:$0x3FAF]  }
0x3d: {  	_ =	shalt  }
0x3e: {  	_ =	shalt  }
0x3f: {  	_ =	shalt  }
0x40: {  	_ =	shalt  }
0x41: {  	_ =	shalt  }
0x42: {  	_ =	shalt  }
0x43: {  	_ =	shalt  }
0x44: {  	_ =	shalt  }
0x45: {  	_ =	shalt  }
0x46: {  	_ =	shalt  }
0x47: {  	_ =	shalt  }
0x48: {  	_ =	shalt  }
0x49: {  	_ =	shalt  }
0x4a: {  	_ =	shalt  }
0x4b: {  	_ =	shalt  }
0x4c: {  	_ =	shalt  }
0x4d: {  	_ =	shalt  }
0x4e: {  	_ =	shalt  }
0x4f: {  	_ =	shalt  }
0x50: {  	_ =	shalt  }
0x51: {  	_ =	shalt  }
0x52: {  	_ =	shalt  }
0x53: {  	_ =	shalt  }
0x54: {  	_ =	shalt  }
0x55: {  	_ =	shalt  }
0x56: {  	_ =	shalt  }
0x57: {  	_ =	shalt  }
0x58: {  	_ =	shalt  }
0x59: {  	_ =	shalt  }
0x5a: {  	_ =	shalt  }
0x5b: {  	_ =	shalt  }
0x5c: {  	_ =	shalt  }
0x5d: {  	_ =	shalt  }
0x5e: {  	_ =	shalt  }
0x5f: {  	_ =	shalt  }
0x60: {  	_ =	shalt  }
0x61: {  	_ =	shalt  }
0x62: {  	_ =	shalt  }
0x63: {  	_ =	shalt  }
0x64: {  	_ =	shalt  }
0x65: {  	_ =	shalt  }
0x66: {  	_ =	shalt  }
0x67: {  	_ =	shalt  }
0x68: {  	_ =	shalt  }
0x69: {  	_ =	shalt  }
0x6a: {  	_ =	shalt  }
0x6b: {  	_ =	shalt  }
0x6c: {  	_ =	shalt  }
0x6d: {  	_ =	shalt  }
0x6e: {  	_ =	shalt  }
0x6f: {  	_ =	shalt  }
0x70: {  	_ =	shalt  }
0x71: {  	_ =	shalt  }
0x72: {  	_ =	shalt  }
0x73: {  	_ =	shalt  }
0x74: {  	_ =	shalt  }
0x75: {  	_ =	shalt  }
0x76: {  	_ =	shalt  }
0x77: {  	_ =	shalt  }
0x78: {  	_ =	shalt  }
0x79: {  	_ =	shalt  }
0x7a: {  	_ =	shalt  }
0x7b: {  	_ =	shalt  }
0x7c: {  	_ =	shalt  }
0x7d: {  	_ =	shalt  }
0x7e: {  	_ =	shalt  }
0x7f: {  	_ =	shalt  }
0x80: {  	_ =	shalt  }
0x81: {  	_ =	shalt  }
0x82: {  	_ =	shalt  }
0x83: {  	_ =	shalt  }
0x84: {  	_ =	shalt  }
0x85: {  	_ =	shalt  }
0x86: {  	_ =	shalt  }
0x87: {  	_ =	shalt  }
.Lfunc_end0:
.L_simem_size_0:
called_computation.2_lowered:
.L_overlay_start_0:
0x88: {  	s2 =	sld [smem:$0x3FD9]  }
0x89: {  	s3 =	sld [smem:$0x3FFE];
	_ =	sdelay $0x1  }
0x8a: {  	s1 =	srdreg.scid  }
0x8b: {  	s0 =	sand.u32 $0x1, s1  }
0x8c: {  	s14 =	sshll.u32 s0, $0xA;
	s2 =	sadd.s32 s3, s2  }
0x8d: {  	s2 =	sadd.s32 s2, s14  }
0x8e: {  	[smem:$0x3FBB] =	sst s2  }
0x8f: {  	_ = 	snop  }
0x90: {  	s2 =	sld [smem:$0x3FD0];
	_ =	sdelay $0x2  }
0x91: {  	s15 =	simm.s32 $0xA;
	s4 =	simm.s32 $0x10  }
0x92: {  	[smem:s4], [sflag:s15] =	dma.local [hbm:s2], $0x1  }
0x93: {  	_ =	swait.eq [sflag:s15], $0x1  }
0x94: {  	s16 =	sld [smem:$0x10];
	[sflag:s15] =	ssyncset.done $0x0  }
0x95: {  	s17 =	sld [smem:$0x11];
	[sflag:s15] =	ssyncadd.s32 $0xFFFFFFFF  }
0x96: {  	s18 =	sld [smem:$0x12];
	(tm) =	ssettm $0x1  }
0x97: {  	s5 =	sld [smem:$0x3FFB];
	_ =	sdelay $0x3  }
0x98: {  	_ =	strace s5  }
0x99: {  	s5 =	sld [smem:$0x3FFC];
	_ =	sdelay $0x3  }
0x9a: {  	_ =	strace s5  }
0x9b: {  	s5 =	sld [smem:$0x3FFD];
	_ =	sdelay $0x3  }
0x9c: {  	_ =	strace s5  }
0x9d: {  	_ =	strace $0x8FFFFFFF  }
0x9e: {  	s19 =	sld [smem:$0x3FDB];
	_ =	sdelay $0x1  }
0x9f: {  	s6 =	simm.s32 $_scs_section_size  }
0xa0: {  	s7 =	simm.s32 $_size__tile_overlayer_lowered;
	s8 =	simm.s32 $_tile_overlayer_lowered  }
0xa1: {  	s22 =	simm.s32 $0x1BFF;
	s21 =	sshll.u32 s8, $0x1;
	s5 =	sadd.s32 s6, s19  }
0xa2: {  	s9 =	simm.s32 $0x0;
	s20 =	sshll.u32 s7, $0x1;
	s7 =	sadd.s32 s21, s5  }
0xa3: {  	[timem:s9], [sflag:s22] =	dma.local [hbm:s7], s20  }
0xa4: {  	_ =	swait.ge [sflag:s22], s20  }
0xa5: {  	s6 =	ssub.s32 $0x0, s20;
	[sflag:s22] =	ssyncset.done $0x0  }
0xa6: {  	[sflag:s22] =	ssyncadd.s32 s6;
	_ =	sdelay $0x1  }
0xa7: {  	s23 =	simm.s32 $0x1B8B  }
0xa8: {  	_ =	swait.ge [sflag:s23], $0x1  }
0xa9: {  	[sflag:s23] =	ssyncset.done $0x0  }
0xaa: {  	s25 =	simm.s32 $0x1B8E;
	s24 =	sld [smem:$0x3FFE];
	[sflag:s23] =	ssyncadd.s32 $0xFFFFFFFF  }
0xab: {  	s26 =	simm.s32 $execute0_lowered;
	[smem:$0x3FD2] =	sst s25  }
0xac: {  	s7 =	sshll.u32 s26, $0x1;
	_ =	strace $0x8000004C;
	[dreg:$0x1] =	wrdreg $0xFFFFFFFF  }
0xad: {  	s28 =	simm.s32 $_size_execute0_lowered;
	s5 =	sadd.s32 s5, s7;
	[dreg:$0x0] =	wrdreg $0x0  }
0xae: {  	s7 =	sshll.u32 s28, $0x1;
	[dreg:$0x2] =	wrdreg s5  }
0xaf: {  	[dreg:$0x3] =	wrdreg s7  }
0xb0: {  	[dreg:$0x4] =	wrdreg $0xC0  }
0xb1: {  	_ =	task [dreg:s9], $0x5FFFF  }
0xb2: {  	[dreg:$0x1] =	wrdreg $0xFFFFFFFF  }
0xb3: {  	[dreg:$0x0] =	wrdreg $0x60  }
0xb4: {  	[dreg:$0x2] =	wrdreg s16  }
0xb5: {  	[dreg:$0x3] =	wrdreg s17  }
0xb6: {  	[dreg:$0x4] =	wrdreg s24  }
0xb7: {  	[dreg:$0x5] =	wrdreg s18  }
0xb8: {  	[dreg:$0x6] =	wrdreg $0xB0000  }
0xb9: {  	[dreg:$0x7] =	wrdreg $0x128000  }
0xba: {  	[dreg:$0x8] =	wrdreg $0x9  }
0xbb: {  	_ =	task.clear_ibuf [dreg:s9], $0x9FFFF;
	_ =	strace $0x9000004C  }
0xbc: {  	s29 =	simm.s32 $0x9;
	_ =	strace $0x8000004E  }
0xbd: {  	_ =	swait.ge [sflag:s29], $0x1  }
0xbe: {  	[sflag:s29] =	ssyncadd.s32 $0xFFFFFFFF  }
0xbf: {  	_ =	strace $0x9000004E  }
0xc0: {  	_ =	sfence  }
0xc1: {  	s30 =	sld [smem:$0x0];
	_ =	sdelay $0x2  }
0xc2: {  	s31 =	sshll.u32 s1, $0xD;
	s1 =	sshrl.u32 s1, $0x2  }
0xc3: {  	s3 =	sand.u32 $0x4000, s31;
	s1 =	sadd.s32 s1, s30  }
0xc4: {  	s0 =	sor.u32 s3, s0;
	s1 =	sshll.u32 s1, $0x11  }
0xc5: {  	s0 =	sor.u32 s1, s0  }
0xc6: {  	s0 =	sadd.s32 $0x8F2B, s0  }
0xc7: {  	[sflag:s0] =	ssyncadd.remote.s32 $0x1  }
0xc8: {  	_ =	sfence.sel $0xFFFF  }
0xc9: {  	[dreg:$0x0] =	wrdreg $0xFFFFFFFF;
	(pc) =	sbr.abs _section_cstart, $3  }
0xca: {  	[dreg:$0x1] =	wrdreg $0xFFFFFFFF  }
0xcb: {  	_ =	task.clear_ibuf [dreg:s9], $0x2FFFF;
	_ =	strace $0x9FFFFFFF  }
0xcc: {  	(tm) =	ssettm $0x7FFFFFFF  }
0xcd: {  	_ =	shalt  }
tec
execute0_lowered:
.L_overlay_start_1:
0x0: {  	(tag) =	ssettag $0x1  }
0x1: {  	s0 =	rddreg [dreg:$0x0]  }
0x2: {  	s1 =	rddreg [dreg:$0x1]  }
0x3: {  	s5 =	rddreg [dreg:$0x2]  }
0x4: {  	s9 =	rddreg [dreg:$0x3]  }
0x5: {  	s2 =	rddreg [dreg:$0x4]  }
0x6: {  	s3 =	rddreg [dreg:$0x5];
	s15 =	stileid.u32  }
0x7: {  	s6 =	srdreg.scid;
	s4 =	simm.s32 $0x0;
	s16 =	simm.s32 $0x1  }
0x8: {  	s17 =	simm.s32 $0x6;
	s18 =	simm.s32 $0x10;
	s28 =	simm.s32 $0x9800  }
0x9: {  	s29 =	simm.s32 $0x2;
	s30 =	simm.s32 $0x3;
	s31 =	simm.s32 $0x4  }
0xa: {  	s7 =	smul.u32 $0x14000, s15;
	s12 =	sand.u32 $0x1, s6;
	[smem:$0x7FF] =	sst s4  }
0xb: {  	s10 =	sshll.u32 s15, $0x1;
	s13 =	smul.u32 $0x7800, s15;
	s26 =	sshll.u32 s15, $0x6  }
0xc: {  	s6 =	smul.u32 $0x140000, s12;
	_ =	strace $0x8000004D;
	s21 =	sor.u32 s12, s10  }
0xd: {  	s22 =	ssub.s32 $0x2, s12;
	p0 =	sne.s32 s12, $0x0;
	s12 =	simm.s32 $0x5  }
0xe: {  	s8 =	sshrl.u32 s7, $0x3;
	s23 =	sshrl.u32 s22, $0x1;
	s24 =	sadd.s32 s13, s2  }
0xf: {  	s25 =	sshrl.u32 s13, $0x3;
	s8 =	sadd.s32 s8, s5;
	s6 =	sadd.s32 s7, s6  }
0x10: {  	s7 =	smul.u32 $0x500, s21;
	s14 =	ssub.s32 s22, s23;
	s9 =	sadd.s32 s9, s25  }
0x11: {  	s15 =	sshrl.u32 s24, $0x3;
	s21 =	simm.s32 $0x80;
	s22 =	simm.s32 $0x5000  }
0x12: {  	s23 =	simm.s32 $0x6800;
	s25 =	simm.s32 $0x8000;
	s6 =	sshrl.u32 s6, $0x3  }
0x13: {  	s24 =	simm.s32 $0x4F80;
	s11 =	sadd.s32 s6, s5;
	s5 =	sadd.s32 s0, s7  }
0x14: {  	s6 =	sadd.s32 s1, s7;
	s7 =	sadd.s32 $0x3800, s8;
	s8 =	sadd.s32 s13, s3  }
0x15: {  	s10 =	sadd.s32 $0x53800, s11;
	s11 =	smax.u32 s14, $0x1;
	s14 =	sor.u32 $0x1C05, s26  }
0x16: {  	s19 =	sshrl.u32 @p0 s8, $0x3;
	s20 =	sshrl.u32 @!p0 s8, $0x3;
	s26 =	simm.s32 $0x0  }
.LBB2_1:
0x17: {  	[tilespmem:s4], [sflag:$0x5] =	stream.linear.gather [hbm4b:s5+s4], $0x2800, $0x38;
	[tilespmem:$0x1A000] =	vst v63  }
0x18: {  	_ =	swait.ge [sflag:s12], $0x2800  }
0x19: {  	[sflag:s12] =	ssyncset.done $0x0  }
0x1a: {  	s0 =	simm.s32 $0x2800;
	[sflag:s12] =	ssyncadd.s32 $0xFFFFD800  }
0x1b: {  	[tilespmem:s0], [sflag:$0x5] =	stream.linear.gather [hbm4b:s6+s4], $0x2800, $0x38;
	[tilespmem:$0x1A000] =	vst v63  }
0x1c: {  	_ =	swait.ge [sflag:s12], $0x2800  }
0x1d: {  	[sflag:s12] =	ssyncset.done $0x0  }
0x1e: {  	[sflag:s12] =	ssyncadd.s32 $0xFFFFD800  }
0x1f: {  	[spmem:s15@s17], [sflag:s14] =	dma.strided [hbm:s7@s18], $0xF00, s16, $0x6   }
0x20: {  	_ =	swait.ge [sflag:s12], $0xF00  }
0x21: {  	s1 =	simm.s32 @!p0 $0x6;
	[sflag:s12] =	ssyncset.done $0x0  }
0x22: {  	s13 =	simm.s32 @!p0 $0x10;
	s0 =	simm.s32 @!p0 $0x1;
	[sflag:s12] =	ssyncadd.s32 $0xFFFFF100  }
0x23: {  	[spmem:s19], [sflag:s14] =	dma.local @p0 [hbm:s9], $0xF00  }
0x24: {  	[spmem:s20@s1], [sflag:s14] =	dma.strided @!p0 [hbm:s7@s13], $0xF00, s0, $0x6   }
0x25: {  	_ =	swait.ge [sflag:s12], $0xF00  }
0x26: {  	[sflag:s12] =	ssyncset.done $0x0  }
0x27: {  	[sflag:s12] =	ssyncadd.s32 $0xFFFFF100  }
0x28: {  	[bflag:$0x0] =	sbarrier.arrive $0xFFFF  }
0x29: {  	[tilespmem:s22], [sflag:$0x1] =	stream.indirect.gather [spmem:s2], $0x30, s4, s21, $0xb8;
	[tilespmem:$0x1A000] =	vst v63  }
0x2a: {  	_ = 	snop  }
0x2b: {  	[tilespmem:s23], [sflag:$0x2] =	stream.indirect.gather [spmem:s2], $0x30, s21, s21, $0xb8;
	[tilespmem:$0x1A000] =	vst v63  }
0x2c: {  	s13 =	simm.s32 $0x100  }
0x2d: {  	[tilespmem:s25], [sflag:$0x3] =	stream.indirect.gather [spmem:s2], $0x30, s13, s21, $0xb8;
	[tilespmem:$0x1A000] =	vst v63  }
0x2e: {  	s1 =	simm.s32 $0x180  }
0x2f: {  	[tilespmem:s28], [sflag:$0x4] =	stream.indirect.gather [spmem:s2], $0x30, s1, s21, $0xb8;
	[tilespmem:$0x1A000] =	vst v63  }
0x30: {  	_ =	swait.ge [sflag:s16], $0x1800  }
0x31: {  	[sflag:s16] =	ssyncset.done $0x0  }
0x32: {  	s13 =	simm.s32 $0x2800;
	[sflag:s16] =	ssyncadd.s32 $0xFFFFE800  }
0x33: {  	[spmem:s3] =	stream.indirect.scatter.add.f32 [tilespmem:s22], [sflag:$0x5], $0x30, s13, s21, $0xb8;
	[tilespmem:$0x1A000] =	vst v63  }
0x34: {  	_ =	swait.ge [sflag:s12], $0x1800  }
0x35: {  	[sflag:s12] =	ssyncset.done $0x0  }
0x36: {  	s1 =	simm.s32 $0x200;
	[sflag:s12] =	ssyncadd.s32 $0xFFFFE800  }
0x37: {  	[tilespmem:s22], [sflag:$0x1] =	stream.indirect.gather [spmem:s2], $0x30, s1, s21, $0xb8;
	[tilespmem:$0x1A000] =	vst v63  }
0x38: {  	_ =	swait.ge [sflag:s29], $0x1800  }
0x39: {  	[sflag:s29] =	ssyncset.done $0x0  }
0x3a: {  	s13 =	simm.s32 $0x2880;
	[sflag:s29] =	ssyncadd.s32 $0xFFFFE800  }
0x3b: {  	[spmem:s3] =	stream.indirect.scatter.add.f32 [tilespmem:s23], [sflag:$0x5], $0x30, s13, s21, $0xb8;
	[tilespmem:$0x1A000] =	vst v63  }
0x3c: {  	_ =	swait.ge [sflag:s12], $0x1800  }
0x3d: {  	[sflag:s12] =	ssyncset.done $0x0  }
0x3e: {  	s1 =	simm.s32 $0x280;
	[sflag:s12] =	ssyncadd.s32 $0xFFFFE800  }
0x3f: {  	[tilespmem:s23], [sflag:$0x2] =	stream.indirect.gather [spmem:s2], $0x30, s1, s21, $0xb8;
	[tilespmem:$0x1A000] =	vst v63  }
0x40: {  	_ =	swait.ge [sflag:s30], $0x1800  }
0x41: {  	[sflag:s30] =	ssyncset.done $0x0  }
0x42: {  	s13 =	simm.s32 $0x2900;
	[sflag:s30] =	ssyncadd.s32 $0xFFFFE800  }
0x43: {  	[spmem:s3] =	stream.indirect.scatter.add.f32 [tilespmem:s25], [sflag:$0x5], $0x30, s13, s21, $0xb8;
	[tilespmem:$0x1A000] =	vst v63  }
0x44: {  	_ =	swait.ge [sflag:s12], $0x1800  }
0x45: {  	[sflag:s12] =	ssyncset.done $0x0  }
0x46: {  	s1 =	simm.s32 $0x300;
	[sflag:s12] =	ssyncadd.s32 $0xFFFFE800  }
0x47: {  	[tilespmem:s25], [sflag:$0x3] =	stream.indirect.gather [spmem:s2], $0x30, s1, s21, $0xb8;
	[tilespmem:$0x1A000] =	vst v63  }
0x48: {  	_ =	swait.ge [sflag:s31], $0x1800  }
0x49: {  	[sflag:s31] =	ssyncset.done $0x0  }
0x4a: {  	s13 =	simm.s32 $0x2980;
	[sflag:s31] =	ssyncadd.s32 $0xFFFFE800  }
0x4b: {  	[spmem:s3] =	stream.indirect.scatter.add.f32 [tilespmem:s28], [sflag:$0x5], $0x30, s13, s21, $0xb8;
	[tilespmem:$0x1A000] =	vst v63  }
0x4c: {  	_ =	swait.ge [sflag:s12], $0x1800  }
0x4d: {  	[sflag:s12] =	ssyncset.done $0x0  }
0x4e: {  	s0 =	simm.s32 $0x800;
	s1 =	simm.s32 $0x380;
	[sflag:s12] =	ssyncadd.s32 $0xFFFFE800  }
.LBB2_2:
0x4f: {  	[tilespmem:s28], [sflag:$0x4] =	stream.indirect.gather [spmem:s2], $0x30, s1, s21, $0xb8;
	[tilespmem:$0x1A000] =	vst v63  }
0x50: {  	s1 =	smov.u32 s0  }
0x51: {  	p1 =	sne.s32 s0, $0x9000;
	s0 =	sadd.s32 $0x800, s0;
	_ =	swait.ge [sflag:s16], $0x1800  }
0x52: {  	s1 =	sshra.s32 s1, $0x2;
	[sflag:s16] =	ssyncset.done $0x0  }
0x53: {  	s13 =	sadd.s32 $0x2800, s1;
	[sflag:s16] =	ssyncadd.s32 $0xFFFFE800  }
0x54: {  	[spmem:s3] =	stream.indirect.scatter.add.f32 [tilespmem:s22], [sflag:$0x5], $0x30, s13, s21, $0xb8;
	[tilespmem:$0x1A000] =	vst v63  }
0x55: {  	_ =	swait.ge [sflag:s12], $0x1800  }
0x56: {  	[sflag:s12] =	ssyncset.done $0x0  }
0x57: {  	s13 =	sadd.s32 $0x200, s1;
	[sflag:s12] =	ssyncadd.s32 $0xFFFFE800  }
0x58: {  	[tilespmem:s22], [sflag:$0x1] =	stream.indirect.gather [spmem:s2], $0x30, s13, s21, $0xb8;
	[tilespmem:$0x1A000] =	vst v63  }
0x59: {  	_ =	swait.ge [sflag:s29], $0x1800  }
0x5a: {  	[sflag:s29] =	ssyncset.done $0x0  }
0x5b: {  	s13 =	sadd.s32 $0x2880, s1;
	[sflag:s29] =	ssyncadd.s32 $0xFFFFE800  }
0x5c: {  	[spmem:s3] =	stream.indirect.scatter.add.f32 [tilespmem:s23], [sflag:$0x5], $0x30, s13, s21, $0xb8;
	[tilespmem:$0x1A000] =	vst v63  }
0x5d: {  	_ =	swait.ge [sflag:s12], $0x1800  }
0x5e: {  	[sflag:s12] =	ssyncset.done $0x0  }
0x5f: {  	s13 =	sadd.s32 $0x280, s1;
	[sflag:s12] =	ssyncadd.s32 $0xFFFFE800  }
0x60: {  	[tilespmem:s23], [sflag:$0x2] =	stream.indirect.gather [spmem:s2], $0x30, s13, s21, $0xb8;
	[tilespmem:$0x1A000] =	vst v63  }
0x61: {  	_ =	swait.ge [sflag:s30], $0x1800  }
0x62: {  	[sflag:s30] =	ssyncset.done $0x0  }
0x63: {  	s13 =	sadd.s32 $0x2900, s1;
	[sflag:s30] =	ssyncadd.s32 $0xFFFFE800  }
0x64: {  	[spmem:s3] =	stream.indirect.scatter.add.f32 [tilespmem:s25], [sflag:$0x5], $0x30, s13, s21, $0xb8;
	[tilespmem:$0x1A000] =	vst v63  }
0x65: {  	_ =	swait.ge [sflag:s12], $0x1800  }
0x66: {  	[sflag:s12] =	ssyncset.done $0x0  }
0x67: {  	s13 =	sadd.s32 $0x300, s1;
	[sflag:s12] =	ssyncadd.s32 $0xFFFFE800  }
0x68: {  	[tilespmem:s25], [sflag:$0x3] =	stream.indirect.gather [spmem:s2], $0x30, s13, s21, $0xb8;
	[tilespmem:$0x1A000] =	vst v63  }
0x69: {  	_ =	swait.ge [sflag:s31], $0x1800  }
0x6a: {  	[sflag:s31] =	ssyncset.done $0x0  }
.Ltmp0:
0x6b: {  	s13 =	sadd.s32 $0x2980, s1;
	[sflag:s31] =	ssyncadd.s32 $0xFFFFE800;
	(pc) =	sbr.rel @p1 .LBB2_2-.Ltmp0, $4  }
0x6c: {  	[spmem:s3] =	stream.indirect.scatter.add.f32 [tilespmem:s28], [sflag:$0x5], $0x30, s13, s21, $0xb8;
	[tilespmem:$0x1A000] =	vst v63  }
0x6d: {  	_ =	swait.ge [sflag:s12], $0x1800  }
0x6e: {  	[sflag:s12] =	ssyncset.done $0x0  }
0x6f: {  	s1 =	sadd.s32 $0x380, s1;
	[sflag:s12] =	ssyncadd.s32 $0xFFFFE800  }
0x70: {  	[tilespmem:s28], [sflag:$0x4] =	stream.indirect.gather [spmem:s2], $0x30, s1, s21, $0xb8;
	[tilespmem:$0x1A000] =	vst v63  }
0x71: {  	_ =	swait.ge [sflag:s16], $0x1800  }
0x72: {  	[sflag:s16] =	ssyncset.done $0x0  }
0x73: {  	s0 =	simm.s32 $0x4E00;
	[sflag:s16] =	ssyncadd.s32 $0xFFFFE800  }
0x74: {  	[spmem:s3] =	stream.indirect.scatter.add.f32 [tilespmem:s22], [sflag:$0x5], $0x30, s0, s21, $0xb8;
	[tilespmem:$0x1A000] =	vst v63  }
0x75: {  	_ =	swait.ge [sflag:s12], $0x1800  }
0x76: {  	[sflag:s12] =	ssyncset.done $0x0  }
0x77: {  	[sflag:s12] =	ssyncadd.s32 $0xFFFFE800  }
0x78: {  	_ =	swait.ge [sflag:s29], $0x1800  }
0x79: {  	[sflag:s29] =	ssyncset.done $0x0  }
0x7a: {  	s13 =	simm.s32 $0x4E80;
	[sflag:s29] =	ssyncadd.s32 $0xFFFFE800  }
0x7b: {  	[spmem:s3] =	stream.indirect.scatter.add.f32 [tilespmem:s23], [sflag:$0x5], $0x30, s13, s21, $0xb8;
	[tilespmem:$0x1A000] =	vst v63  }
0x7c: {  	_ =	swait.ge [sflag:s12], $0x1800  }
0x7d: {  	[sflag:s12] =	ssyncset.done $0x0  }
0x7e: {  	[sflag:s12] =	ssyncadd.s32 $0xFFFFE800  }
0x7f: {  	_ =	swait.ge [sflag:s30], $0x1800  }
0x80: {  	[sflag:s30] =	ssyncset.done $0x0  }
0x81: {  	s1 =	simm.s32 $0x4F00;
	[sflag:s30] =	ssyncadd.s32 $0xFFFFE800  }
0x82: {  	[spmem:s3] =	stream.indirect.scatter.add.f32 [tilespmem:s25], [sflag:$0x5], $0x30, s1, s21, $0xb8;
	[tilespmem:$0x1A000] =	vst v63  }
0x83: {  	_ =	swait.ge [sflag:s12], $0x1800  }
0x84: {  	[sflag:s12] =	ssyncset.done $0x0  }
0x85: {  	[sflag:s12] =	ssyncadd.s32 $0xFFFFE800  }
0x86: {  	_ =	swait.ge [sflag:s31], $0x1800  }
0x87: {  	[sflag:s31] =	ssyncset.done $0x0  }
0x88: {  	[sflag:s31] =	ssyncadd.s32 $0xFFFFE800  }
0x89: {  	[spmem:s3] =	stream.indirect.scatter.add.f32 [tilespmem:s28], [sflag:$0x5], $0x30, s24, s21, $0xb8;
	[tilespmem:$0x1A000] =	vst v63  }
0x8a: {  	_ =	swait.ge [sflag:s12], $0x1800  }
0x8b: {  	s26 =	sadd.s32 $0x1, s26;
	[sflag:s12] =	ssyncset.done $0x0  }
0x8c: {  	p1 =	sne.s32 s26, s11;
	[sflag:s12] =	ssyncadd.s32 $0xFFFFE800  }
.Ltmp1:
0x8d: {  	s13 =	sshrl.u32 s8, $0x3;
	[bflag:$0x0] =	sbarrier.arrive $0xFFFF;
	(pc) =	sbr.rel @p1 .LBB2_1-.Ltmp1, $4  }
0x8e: {  	[hbm:s10@s18], [sflag:s14] =	dma.strided [spmem:s13@s17], $0xF00, s16, $0x6   }
0x8f: {  	_ =	swait.ge [sflag:s12], $0xF00  }
0x90: {  	[sflag:s12] =	ssyncset.done $0x0  }
0x91: {  	[sflag:s12] =	ssyncadd.s32 $0xFFFFF100  }
0x92: {  	_ =	sfence.sel $0x180000  }
0x93: {  	[bflag:$0x0] =	sbarrier.arrive $0xFFFF  }
0x94: {  	_ =	strace $0x9000004D  }
0x95: {  	s0 =	stileid.u32;
	[bflag:$0x2] =	sbarrier.arrive $0xFFFF  }
0x96: {  	p0 =	sne.s32 s0, $0x0;
	s0 =	rddreg [dreg:$0x6]  }
0x97: {  	s0 =	sadd.s32 @!p0 $0x100000, s0  }
0x98: {  	[sflag:s0] =	ssyncadd.tile.s32 @!p0 $0x1;
	_ =	shalt  }
.Lfunc_end2:
_tile_overlayer_lowered:
.L_overlay_start_2:
0x99: {  	(tag) =	ssettag $0x2  }
0x9a: {  	s0 =	rddreg [dreg:$0x0];
	s2 =	stileid.u32  }
0x9b: {  	s1 =	rddreg [dreg:$0x1];
	p0 =	sne.s32 s2, $0x0  }
0x9c: {  	s3 =	rddreg [dreg:$0x2];
	[bflag:$0x3] =	sbarrier.arrive $0xFFFF;
	s2 =	simm.s32 @!p0 $0x1C05  }
0x9d: {  	[timem:s3], [sflag:s2] =	dma.local @!p0 [hbm:s0], s1  }
0x9e: {  	s0 =	simm.s32 @!p0 $0x5  }
0x9f: {  	_ =	swait.ge @!p0 [sflag:s0], s1  }
0xa0: {  	s1 =	ssub.s32 @!p0 $0x0, s1;
	[sflag:s0] =	ssyncset.done @!p0 $0x0  }
0xa1: {  	[sflag:s0] =	ssyncadd.s32 @!p0 s1  }
0xa2: {  	[bflag:$0x3] =	sbarrier.arrive $0xFFFF  }
0xa3: {  	_ =	shalt  }

// kernel: kernel.8.cloned.1.call-start
scs
__scs_entry_jumppad:
0x0: {  	(pc) =	sbr.rel $0x88, $3  }
0x1: {  	(tag) =	ssettag $0x0;
	lr =	simm.s32 $0x1  }
0x2: {  	[smem:$0x3F94] =	sst lr;
	_ =	strace $0xD0000000  }
0x3: {  	_ = 	snop  }
0x4: {  	_ = 	snop  }
0x5: {  	_ = 	snop  }
0x6: {  	_ = 	snop  }
0x7: {  	_ = 	snop  }
__scs_overlays_trampoline_lowered:
0x8: {  	[smem:$0x3FA3] =	sst s0  }
0x9: {  	[smem:$0x3FA4] =	sst s1  }
0xa: {  	[smem:$0x3FA5] =	sst s2  }
0xb: {  	[smem:$0x3FA6] =	sst s3  }
0xc: {  	[smem:$0x3FA7] =	sst s4  }
0xd: {  	[smem:$0x3FA8] =	sst s5  }
0xe: {  	[smem:$0x3FA9] =	sst s6  }
0xf: {  	[smem:$0x3FAA] =	sst s7  }
0x10: {  	[smem:$0x3FAB] =	sst s8  }
0x11: {  	[smem:$0x3FAC] =	sst s9;
	s0 =	simm.s32 @!p0 $0x0  }
0x12: {  	s1 =	sld [smem:$0x3F92];
	s0 =	simm.s32 @p0 $0x1  }
0x13: {  	[smem:$0x3FAD] =	sst s0;
	s0 =	simm.s32 @!p1 $0x0  }
0x14: {  	s2 =	sld [smem:$0x3F91];
	s0 =	simm.s32 @p1 $0x1  }
0x15: {  	[smem:$0x3FAE] =	sst s0;
	s0 =	simm.s32 @!p2 $0x0  }
0x16: {  	s3 =	sld [smem:$0x3FDB];
	s0 =	simm.s32 @p2 $0x1  }
0x17: {  	s4 =	simm.s32 $0x1BF5;
	[smem:$0x3FB0] =	sst s0  }
0x18: {  	s0 =	sld [smem:$0x3F93];
	_ =	swait.ge [sflag:s4], $0x0  }
0x19: {  	s7 =	sld [smem:$0x3F94]  }
0x1a: {  	s8 =	sadd.s32 $0xFFFFE003, lr  }
0x1b: {  	s9 =	sadd.s32 $0xFFFFFEF7, lr;
	s5 =	simm.s32 $0xFFFFFFFF;
	p2 =	slt.u32 s8, $0xFFFFF086  }
0x1c: {  	p1 =	slt.u32 s9, $0xF7A;
	s5 =	simm.s32 @!p2 $0x0  }
0x1d: {  	s5 =	simm.s32 @p1 $0x1;
	p0 =	seq.s32 s7, s2  }
0x1e: {  	s7 =	smul.u32 @!p0 $0xF7A, s2;
	p2 =	seq.s32 @!p0 s5, $0x0  }
0x1f: {  	s9 =	smul.u32 $0xF7A, s1;
	s8 =	simm.s32 @!p0 $0x1BF5;
	p2 =	por !p2, p0  }
0x20: {  	[sflag:s8] =	ssyncset.s32 @!p0 $0xFFFFF086;
	s6 =	sadd.s32 @!p0 s3, s7;
	s7 =	simm.s32 @!p0 $0x108  }
0x21: {  	s3 =	sadd.s32 s3, s9;
	s6 =	sadd.s32 @!p0 $0x88, s6;
	s7 =	simm.s32 @p2 $0x1082  }
0x22: {  	[simem:s7], [sflag:s8] =	dma.local @!p0 [hbm:s6], $0xF7A  }
0x23: {  	s9 =	sor.u32 $0xD0000000, s2;
	s6 =	simm.s32 $0x108;
	_ =	swait.ge @!p0 [sflag:s8], $0x0  }
0x24: {  	s3 =	sadd.s32 $0x88, s3;
	s6 =	simm.s32 @!p1 $0x1082;
	[sflag:s4] =	ssyncset.s32 $0xFFFFF086  }
0x25: {  	[simem:s6], [sflag:s4] =	dma.local [hbm:s3], $0xF7A  }
0x26: {  	[smem:$0x3F94] =	sst s1;
	(tag) =	ssettag s2;
	_ =	strace s9  }
0x27: {  	s1 =	sld [smem:$0x3FA4]  }
0x28: {  	s2 =	sld [smem:$0x3FA5]  }
0x29: {  	s4 =	sld [smem:$0x3FA7]  }
0x2a: {  	p0 =	seq.s32 s5, $0x0;
	s5 =	sld [smem:$0x3FA8]  }
0x2b: {  	s6 =	sld [smem:$0x3FA9]  }
0x2c: {  	s7 =	sld [smem:$0x3FAA]  }
0x2d: {  	s3 =	simm.s32 $0x108;
	s8 =	sld [smem:$0x3FAB]  }
0x2e: {  	s3 =	simm.s32 @!p0 $0x1082;
	s9 =	sld [smem:$0x3FAC]  }
0x2f: {  	lr =	sadd.s32 s0, s3;
	s0 =	sld [smem:$0x3FA3]  }
0x30: {  	s3 =	sld [smem:$0x3FA6]  }
0x31: {  	[smem:$0x3FAF] =	sst s10  }
0x32: {  	s10 =	sld [smem:$0x3FAD];
	_ =	sdelay $0x3  }
0x33: {  	p0 =	seq.s32 s10, $0x1;
	s10 =	sld [smem:$0x3FAF];
	_ =	sdelay $0x3  }
0x34: {  	[smem:$0x3FAF] =	sst s10  }
0x35: {  	s10 =	sld [smem:$0x3FAE];
	_ =	sdelay $0x3  }
0x36: {  	p1 =	seq.s32 s10, $0x1;
	s10 =	sld [smem:$0x3FAF];
	_ =	sdelay $0x3  }
0x37: {  	[smem:$0x3FAF] =	sst s10  }
0x38: {  	s10 =	sld [smem:$0x3FB0]  }
0x39: {  	_ = 	snop;
	(pc) =	sbr.ind lr, $3  }
0x3a: {  	_ = 	snop  }
0x3b: {  	_ = 	snop  }
0x3c: {  	p2 =	seq.s32 s10, $0x1;
	s10 =	sld [smem:$0x3FAF]  }
0x3d: {  	_ =	shalt  }
0x3e: {  	_ =	shalt  }
0x3f: {  	_ =	shalt  }
0x40: {  	_ =	shalt  }
0x41: {  	_ =	shalt  }
0x42: {  	_ =	shalt  }
0x43: {  	_ =	shalt  }
0x44: {  	_ =	shalt  }
0x45: {  	_ =	shalt  }
0x46: {  	_ =	shalt  }
0x47: {  	_ =	shalt  }
0x48: {  	_ =	shalt  }
0x49: {  	_ =	shalt  }
0x4a: {  	_ =	shalt  }
0x4b: {  	_ =	shalt  }
0x4c: {  	_ =	shalt  }
0x4d: {  	_ =	shalt  }
0x4e: {  	_ =	shalt  }
0x4f: {  	_ =	shalt  }
0x50: {  	_ =	shalt  }
0x51: {  	_ =	shalt  }
0x52: {  	_ =	shalt  }
0x53: {  	_ =	shalt  }
0x54: {  	_ =	shalt  }
0x55: {  	_ =	shalt  }
0x56: {  	_ =	shalt  }
0x57: {  	_ =	shalt  }
0x58: {  	_ =	shalt  }
0x59: {  	_ =	shalt  }
0x5a: {  	_ =	shalt  }
0x5b: {  	_ =	shalt  }
0x5c: {  	_ =	shalt  }
0x5d: {  	_ =	shalt  }
0x5e: {  	_ =	shalt  }
0x5f: {  	_ =	shalt  }
0x60: {  	_ =	shalt  }
0x61: {  	_ =	shalt  }
0x62: {  	_ =	shalt  }
0x63: {  	_ =	shalt  }
0x64: {  	_ =	shalt  }
0x65: {  	_ =	shalt  }
0x66: {  	_ =	shalt  }
0x67: {  	_ =	shalt  }
0x68: {  	_ =	shalt  }
0x69: {  	_ =	shalt  }
0x6a: {  	_ =	shalt  }
0x6b: {  	_ =	shalt  }
0x6c: {  	_ =	shalt  }
0x6d: {  	_ =	shalt  }
0x6e: {  	_ =	shalt  }
0x6f: {  	_ =	shalt  }
0x70: {  	_ =	shalt  }
0x71: {  	_ =	shalt  }
0x72: {  	_ =	shalt  }
0x73: {  	_ =	shalt  }
0x74: {  	_ =	shalt  }
0x75: {  	_ =	shalt  }
0x76: {  	_ =	shalt  }
0x77: {  	_ =	shalt  }
0x78: {  	_ =	shalt  }
0x79: {  	_ =	shalt  }
0x7a: {  	_ =	shalt  }
0x7b: {  	_ =	shalt  }
0x7c: {  	_ =	shalt  }
0x7d: {  	_ =	shalt  }
0x7e: {  	_ =	shalt  }
0x7f: {  	_ =	shalt  }
0x80: {  	_ =	shalt  }
0x81: {  	_ =	shalt  }
0x82: {  	_ =	shalt  }
0x83: {  	_ =	shalt  }
0x84: {  	_ =	shalt  }
0x85: {  	_ =	shalt  }
0x86: {  	_ =	shalt  }
0x87: {  	_ =	shalt  }
.Lfunc_end0:
.L_simem_size_0:
called_computation_lowered:
.L_overlay_start_0:
0x88: {  	s2 =	sld [smem:$0x3FD9]  }
0x89: {  	s3 =	sld [smem:$0x3FFE];
	_ =	sdelay $0x1  }
0x8a: {  	s1 =	srdreg.scid  }
0x8b: {  	s0 =	sand.u32 $0x1, s1  }
0x8c: {  	s14 =	sshll.u32 s0, $0xA;
	s2 =	sadd.s32 s3, s2  }
0x8d: {  	s2 =	sadd.s32 s2, s14  }
0x8e: {  	[smem:$0x3FBB] =	sst s2  }
0x8f: {  	_ = 	snop  }
0x90: {  	s2 =	sld [smem:$0x3FD0];
	_ =	sdelay $0x2  }
0x91: {  	s15 =	simm.s32 $0xA;
	s4 =	simm.s32 $0x10  }
0x92: {  	[smem:s4], [sflag:s15] =	dma.local [hbm:s2], $0x1  }
0x93: {  	_ =	swait.eq [sflag:s15], $0x1  }
0x94: {  	[sflag:s15] =	ssyncset.done $0x0  }
0x95: {  	s16 =	sld [smem:$0x11];
	[sflag:s15] =	ssyncadd.s32 $0xFFFFFFFF  }
0x96: {  	s17 =	sld [smem:$0x12];
	(tm) =	ssettm $0x1  }
0x97: {  	s18 =	sld [smem:$0x3FFB];
	_ =	sdelay $0x3  }
0x98: {  	_ =	strace s18  }
0x99: {  	s4 =	sld [smem:$0x3FFC];
	_ =	sdelay $0x3  }
0x9a: {  	_ =	strace s4  }
0x9b: {  	s4 =	sld [smem:$0x3FFD];
	_ =	sdelay $0x3  }
0x9c: {  	_ =	strace s4  }
0x9d: {  	_ =	strace $0x8FFFFFFF  }
0x9e: {  	s19 =	sld [smem:$0x3FDB];
	_ =	sdelay $0x1  }
0x9f: {  	s5 =	simm.s32 $_scs_section_size  }
0xa0: {  	s6 =	simm.s32 $_size__tile_overlayer_lowered;
	s7 =	simm.s32 $_tile_overlayer_lowered  }
0xa1: {  	s22 =	simm.s32 $0x1BFF;
	s21 =	sshll.u32 s7, $0x1;
	s4 =	sadd.s32 s5, s19  }
0xa2: {  	s8 =	simm.s32 $0x0;
	s20 =	sshll.u32 s6, $0x1;
	s6 =	sadd.s32 s21, s4  }
0xa3: {  	[timem:s8], [sflag:s22] =	dma.local [hbm:s6], s20  }
0xa4: {  	_ =	swait.ge [sflag:s22], s20  }
0xa5: {  	s5 =	ssub.s32 $0x0, s20;
	[sflag:s22] =	ssyncset.done $0x0  }
0xa6: {  	[sflag:s22] =	ssyncadd.s32 s5;
	_ =	sdelay $0x1  }
0xa7: {  	s23 =	simm.s32 $0x1B8B  }
0xa8: {  	_ =	swait.ge [sflag:s23], $0x1  }
0xa9: {  	[sflag:s23] =	ssyncset.done $0x0  }
0xaa: {  	s25 =	simm.s32 $0x1B8E;
	s24 =	sld [smem:$0x3FFE];
	[sflag:s23] =	ssyncadd.s32 $0xFFFFFFFF  }
0xab: {  	s26 =	simm.s32 $execute0_lowered;
	[smem:$0x3FD2] =	sst s25  }
0xac: {  	s6 =	sshll.u32 s26, $0x1;
	_ =	strace $0x80000046;
	[dreg:$0x1] =	wrdreg $0xFFFFFFFF  }
0xad: {  	s28 =	simm.s32 $_size_execute0_lowered;
	s4 =	sadd.s32 s4, s6;
	[dreg:$0x0] =	wrdreg $0x0  }
0xae: {  	s6 =	sshll.u32 s28, $0x1;
	[dreg:$0x2] =	wrdreg s4  }
0xaf: {  	[dreg:$0x3] =	wrdreg s6  }
0xb0: {  	[dreg:$0x4] =	wrdreg $0xC0  }
0xb1: {  	_ =	task [dreg:s8], $0x5FFFF  }
0xb2: {  	[dreg:$0x1] =	wrdreg $0xFFFFFFFF  }
0xb3: {  	[dreg:$0x0] =	wrdreg $0x60  }
0xb4: {  	[dreg:$0x2] =	wrdreg s16  }
0xb5: {  	[dreg:$0x3] =	wrdreg s17  }
0xb6: {  	[dreg:$0x4] =	wrdreg s24  }
0xb7: {  	[dreg:$0x5] =	wrdreg $0x2C000  }
0xb8: {  	[dreg:$0x6] =	wrdreg $0x9  }
0xb9: {  	_ =	task.clear_ibuf [dreg:s8], $0x7FFFF;
	_ =	strace $0x90000046  }
0xba: {  	s29 =	simm.s32 $0x9;
	_ =	strace $0x80000048  }
0xbb: {  	_ =	swait.ge [sflag:s29], $0x1  }
0xbc: {  	[sflag:s29] =	ssyncadd.s32 $0xFFFFFFFF  }
0xbd: {  	_ =	strace $0x90000048  }
0xbe: {  	_ =	sfence  }
0xbf: {  	s30 =	sld [smem:$0x0];
	_ =	sdelay $0x2  }
0xc0: {  	s31 =	sshll.u32 s1, $0xD;
	s1 =	sshrl.u32 s1, $0x2  }
0xc1: {  	s3 =	sand.u32 $0x4000, s31;
	s1 =	sadd.s32 s1, s30  }
0xc2: {  	s0 =	sor.u32 s3, s0;
	s1 =	sshll.u32 s1, $0x11  }
0xc3: {  	s0 =	sor.u32 s1, s0  }
0xc4: {  	s0 =	sadd.s32 $0x8F2B, s0  }
0xc5: {  	[sflag:s0] =	ssyncadd.remote.s32 $0x1  }
0xc6: {  	_ =	sfence.sel $0xFFFF  }
0xc7: {  	[dreg:$0x0] =	wrdreg $0xFFFFFFFF;
	(pc) =	sbr.abs _section_cstart, $3  }
0xc8: {  	[dreg:$0x1] =	wrdreg $0xFFFFFFFF  }
0xc9: {  	_ =	task.clear_ibuf [dreg:s8], $0x2FFFF;
	_ =	strace $0x9FFFFFFF  }
0xca: {  	(tm) =	ssettm $0x7FFFFFFF  }
0xcb: {  	_ =	shalt  }
tec
execute0_lowered:
.L_overlay_start_1:
0x0: {  	(tag) =	ssettag $0x1  }
0x1: {  	s5 =	rddreg [dreg:$0x0]  }
0x2: {  	s6 =	rddreg [dreg:$0x1]  }
0x3: {  	s7 =	rddreg [dreg:$0x2]  }
0x4: {  	s1 =	rddreg [dreg:$0x3]  }
0x5: {  	s2 =	srdreg.scid;
	s0 =	rddreg [dreg:$0x4]  }
0x6: {  	s3 =	simm.s32 $0x0;
	s14 =	simm.s32 $0x1;
	s4 =	sand.u32 $0x1, s2  }
0x7: {  	s15 =	simm.s32 $0x10;
	s2 =	stileid.u32;
	s8 =	smul.u32 $0x140000, s4  }
0x8: {  	s16 =	simm.s32 $0x0;
	[smem:$0x7FF] =	sst s3;
	s9 =	smul.u32 $0x14000, s2  }
0x9: {  	s10 =	sshll.u32 s2, $0x1;
	_ =	strace $0x80000047;
	s28 =	ssub.s32 $0x2, s4  }
0xa: {  	s12 =	smul.u32 $0x1400, s2;
	s31 =	sshll.u32 s2, $0x6;
	s10 =	sor.u32 s4, s10  }
0xb: {  	s11 =	sshrl.u32 s28, $0x1;
	s4 =	sadd.s32 $0x3800, s7;
	s8 =	sadd.s32 s9, s8  }
0xc: {  	s10 =	smul.u32 $0x500, s10;
	s29 =	ssub.s32 s28, s11;
	s13 =	sadd.s32 s12, s1  }
0xd: {  	s30 =	sshrl.u32 s12, $0x3;
	s9 =	simm.s32 $0x2;
	s11 =	sor.u32 $0x1C02, s31  }
0xe: {  	s8 =	sshrl.u32 s8, $0x3;
	s6 =	sadd.s32 s6, s30;
	s12 =	sshrl.u32 s13, $0x3  }
0xf: {  	s13 =	simm.s32 $0x80;
	s7 =	sadd.s32 s8, s7;
	s5 =	sadd.s32 s5, s10  }
0x10: {  	s8 =	smax.u32 s29, $0x1;
	s10 =	simm.s32 $0x2800;
	s7 =	sadd.s32 $0x3A00, s7  }
.LBB2_1:
0x11: {  	[tilespmem:s3], [sflag:$0x2] =	stream.linear.gather [hbm4b:s5+s3], $0x2800, $0x38;
	[tilespmem:$0x4000] =	vst v63  }
0x12: {  	_ =	swait.ge [sflag:s9], $0x2800  }
0x13: {  	[sflag:s9] =	ssyncset.done $0x0  }
0x14: {  	[sflag:s9] =	ssyncadd.s32 $0xFFFFD800  }
0x15: {  	[tilespmem:s10], [sflag:$0x2] =	stream.linear.gather [hbm4b:s4+s3], $0x400, $0x38;
	[tilespmem:$0x4000] =	vst v63  }
0x16: {  	_ =	swait.ge [sflag:s9], $0x400  }
0x17: {  	[sflag:s9] =	ssyncset.done $0x0  }
0x18: {  	[sflag:s9] =	ssyncadd.s32 $0xFFFFFC00  }
0x19: {  	[spmem:s12], [sflag:s11] =	dma.local [hbm:s6], $0x280  }
0x1a: {  	_ =	swait.ge [sflag:s9], $0x280  }
0x1b: {  	[sflag:s9] =	ssyncset.done $0x0  }
0x1c: {  	[sflag:s9] =	ssyncadd.s32 $0xFFFFFD80  }
0x1d: {  	s17 =	simm.s32 $0x0;
	[bflag:$0x0] =	sbarrier.arrive $0xFFFF  }
0x1e: {  	[spmem:s1] =	stream.indirect.scatter.add.f32 [tilespmem:s10], [sflag:$0x1], $0x8, s17, s13, $0xb8;
	[tilespmem:$0x4000] =	vst v63  }
0x1f: {  	s30 =	simm.s32 $0x80  }
0x20: {  	[spmem:s1] =	stream.indirect.scatter.add.f32 [tilespmem:s10], [sflag:$0x1], $0x8, s30, s13, $0xb8;
	[tilespmem:$0x4000] =	vst v63  }
0x21: {  	s31 =	simm.s32 $0x100  }
0x22: {  	[spmem:s1] =	stream.indirect.scatter.add.f32 [tilespmem:s10], [sflag:$0x1], $0x8, s31, s13, $0xb8;
	[tilespmem:$0x4000] =	vst v63  }
0x23: {  	s18 =	simm.s32 $0x180  }
0x24: {  	[spmem:s1] =	stream.indirect.scatter.add.f32 [tilespmem:s10], [sflag:$0x1], $0x8, s18, s13, $0xb8;
	[tilespmem:$0x4000] =	vst v63  }
0x25: {  	s19 =	simm.s32 $0x200  }
0x26: {  	[spmem:s1] =	stream.indirect.scatter.add.f32 [tilespmem:s10], [sflag:$0x1], $0x8, s19, s13, $0xb8;
	[tilespmem:$0x4000] =	vst v63  }
0x27: {  	s20 =	simm.s32 $0x280  }
0x28: {  	[spmem:s1] =	stream.indirect.scatter.add.f32 [tilespmem:s10], [sflag:$0x1], $0x8, s20, s13, $0xb8;
	[tilespmem:$0x4000] =	vst v63  }
0x29: {  	s21 =	simm.s32 $0x300  }
0x2a: {  	[spmem:s1] =	stream.indirect.scatter.add.f32 [tilespmem:s10], [sflag:$0x1], $0x8, s21, s13, $0xb8;
	[tilespmem:$0x4000] =	vst v63  }
0x2b: {  	s22 =	simm.s32 $0x380  }
0x2c: {  	[spmem:s1] =	stream.indirect.scatter.add.f32 [tilespmem:s10], [sflag:$0x1], $0x8, s22, s13, $0xb8;
	[tilespmem:$0x4000] =	vst v63  }
0x2d: {  	s23 =	simm.s32 $0x400  }
0x2e: {  	[spmem:s1] =	stream.indirect.scatter.add.f32 [tilespmem:s10], [sflag:$0x1], $0x8, s23, s13, $0xb8;
	[tilespmem:$0x4000] =	vst v63  }
0x2f: {  	s24 =	simm.s32 $0x480  }
0x30: {  	[spmem:s1] =	stream.indirect.scatter.add.f32 [tilespmem:s10], [sflag:$0x1], $0x8, s24, s13, $0xb8;
	[tilespmem:$0x4000] =	vst v63  }
0x31: {  	s25 =	simm.s32 $0x500  }
0x32: {  	[spmem:s1] =	stream.indirect.scatter.add.f32 [tilespmem:s10], [sflag:$0x1], $0x8, s25, s13, $0xb8;
	[tilespmem:$0x4000] =	vst v63  }
0x33: {  	s26 =	simm.s32 $0x580  }
0x34: {  	[spmem:s1] =	stream.indirect.scatter.add.f32 [tilespmem:s10], [sflag:$0x1], $0x8, s26, s13, $0xb8;
	[tilespmem:$0x4000] =	vst v63  }
0x35: {  	s28 =	simm.s32 $0x600  }
0x36: {  	[spmem:s1] =	stream.indirect.scatter.add.f32 [tilespmem:s10], [sflag:$0x1], $0x8, s28, s13, $0xb8;
	[tilespmem:$0x4000] =	vst v63  }
0x37: {  	s29 =	simm.s32 $0x680  }
0x38: {  	[spmem:s1] =	stream.indirect.scatter.add.f32 [tilespmem:s10], [sflag:$0x1], $0x8, s29, s13, $0xb8;
	[tilespmem:$0x4000] =	vst v63  }
0x39: {  	s30 =	simm.s32 $0x700  }
0x3a: {  	[spmem:s1] =	stream.indirect.scatter.add.f32 [tilespmem:s10], [sflag:$0x1], $0x8, s30, s13, $0xb8;
	[tilespmem:$0x4000] =	vst v63  }
0x3b: {  	s31 =	simm.s32 $0x780  }
0x3c: {  	[spmem:s1] =	stream.indirect.scatter.add.f32 [tilespmem:s10], [sflag:$0x1], $0x8, s31, s13, $0xb8;
	[tilespmem:$0x4000] =	vst v63  }
0x3d: {  	_ =	swait.ge [sflag:s14], $0x400  }
0x3e: {  	[sflag:s14] =	ssyncset.done $0x0  }
0x3f: {  	[sflag:s14] =	ssyncadd.s32 $0xFFFFFC00  }
0x40: {  	_ =	swait.ge [sflag:s14], $0x400  }
0x41: {  	[sflag:s14] =	ssyncset.done $0x0  }
0x42: {  	[sflag:s14] =	ssyncadd.s32 $0xFFFFFC00  }
0x43: {  	_ =	swait.ge [sflag:s14], $0x400  }
0x44: {  	[sflag:s14] =	ssyncset.done $0x0  }
0x45: {  	[sflag:s14] =	ssyncadd.s32 $0xFFFFFC00  }
0x46: {  	_ =	swait.ge [sflag:s14], $0x400  }
0x47: {  	[sflag:s14] =	ssyncset.done $0x0  }
0x48: {  	[sflag:s14] =	ssyncadd.s32 $0xFFFFFC00  }
0x49: {  	_ =	swait.ge [sflag:s14], $0x400  }
0x4a: {  	[sflag:s14] =	ssyncset.done $0x0  }
0x4b: {  	[sflag:s14] =	ssyncadd.s32 $0xFFFFFC00  }
0x4c: {  	_ =	swait.ge [sflag:s14], $0x400  }
0x4d: {  	[sflag:s14] =	ssyncset.done $0x0  }
0x4e: {  	[sflag:s14] =	ssyncadd.s32 $0xFFFFFC00  }
0x4f: {  	_ =	swait.ge [sflag:s14], $0x400  }
0x50: {  	[sflag:s14] =	ssyncset.done $0x0  }
0x51: {  	[sflag:s14] =	ssyncadd.s32 $0xFFFFFC00  }
0x52: {  	_ =	swait.ge [sflag:s14], $0x400  }
0x53: {  	[sflag:s14] =	ssyncset.done $0x0  }
0x54: {  	[sflag:s14] =	ssyncadd.s32 $0xFFFFFC00  }
0x55: {  	_ =	swait.ge [sflag:s14], $0x400  }
0x56: {  	[sflag:s14] =	ssyncset.done $0x0  }
0x57: {  	[sflag:s14] =	ssyncadd.s32 $0xFFFFFC00  }
0x58: {  	_ =	swait.ge [sflag:s14], $0x400  }
0x59: {  	[sflag:s14] =	ssyncset.done $0x0  }
0x5a: {  	[sflag:s14] =	ssyncadd.s32 $0xFFFFFC00  }
0x5b: {  	_ =	swait.ge [sflag:s14], $0x400  }
0x5c: {  	[sflag:s14] =	ssyncset.done $0x0  }
0x5d: {  	[sflag:s14] =	ssyncadd.s32 $0xFFFFFC00  }
0x5e: {  	_ =	swait.ge [sflag:s14], $0x400  }
0x5f: {  	[sflag:s14] =	ssyncset.done $0x0  }
0x60: {  	[sflag:s14] =	ssyncadd.s32 $0xFFFFFC00  }
0x61: {  	_ =	swait.ge [sflag:s14], $0x400  }
0x62: {  	[sflag:s14] =	ssyncset.done $0x0  }
0x63: {  	[sflag:s14] =	ssyncadd.s32 $0xFFFFFC00  }
0x64: {  	_ =	swait.ge [sflag:s14], $0x400  }
0x65: {  	[sflag:s14] =	ssyncset.done $0x0  }
0x66: {  	[sflag:s14] =	ssyncadd.s32 $0xFFFFFC00  }
0x67: {  	_ =	swait.ge [sflag:s14], $0x400  }
0x68: {  	[sflag:s14] =	ssyncset.done $0x0  }
0x69: {  	[sflag:s14] =	ssyncadd.s32 $0xFFFFFC00  }
0x6a: {  	_ =	swait.ge [sflag:s14], $0x400  }
0x6b: {  	s17 =	simm.s32 $0x2000;
	s20 =	simm.s32 $0x4000;
	[sflag:s14] =	ssyncset.done $0x0  }
.LBB2_2:
0x6c: {  	s19 =	sshra.s32 s17, $0x2  }
0x6d: {  	[sflag:s14] =	ssyncadd.s32 $0xFFFFFC00;
	s17 =	smov.u32 s20;
	s18 =	sadd.s32 $0x2000, s20  }
0x6e: {  	[spmem:s1] =	stream.indirect.scatter.add.f32 [tilespmem:s10], [sflag:$0x1], $0x8, s19, s13, $0xb8;
	[tilespmem:$0x4000] =	vst v63  }
0x6f: {  	p0 =	sne.s32 s20, $0x8000;
	s20 =	sadd.s32 $0x80, s19  }
0x70: {  	[spmem:s1] =	stream.indirect.scatter.add.f32 [tilespmem:s10], [sflag:$0x1], $0x8, s20, s13, $0xb8;
	[tilespmem:$0x4000] =	vst v63  }
0x71: {  	s20 =	sadd.s32 $0x100, s19  }
0x72: {  	[spmem:s1] =	stream.indirect.scatter.add.f32 [tilespmem:s10], [sflag:$0x1], $0x8, s20, s13, $0xb8;
	[tilespmem:$0x4000] =	vst v63  }
0x73: {  	s20 =	sadd.s32 $0x180, s19  }
0x74: {  	[spmem:s1] =	stream.indirect.scatter.add.f32 [tilespmem:s10], [sflag:$0x1], $0x8, s20, s13, $0xb8;
	[tilespmem:$0x4000] =	vst v63  }
0x75: {  	s20 =	sadd.s32 $0x200, s19  }
0x76: {  	[spmem:s1] =	stream.indirect.scatter.add.f32 [tilespmem:s10], [sflag:$0x1], $0x8, s20, s13, $0xb8;
	[tilespmem:$0x4000] =	vst v63  }
0x77: {  	s20 =	sadd.s32 $0x280, s19  }
0x78: {  	[spmem:s1] =	stream.indirect.scatter.add.f32 [tilespmem:s10], [sflag:$0x1], $0x8, s20, s13, $0xb8;
	[tilespmem:$0x4000] =	vst v63  }
0x79: {  	s20 =	sadd.s32 $0x300, s19  }
0x7a: {  	[spmem:s1] =	stream.indirect.scatter.add.f32 [tilespmem:s10], [sflag:$0x1], $0x8, s20, s13, $0xb8;
	[tilespmem:$0x4000] =	vst v63  }
0x7b: {  	s20 =	sadd.s32 $0x380, s19  }
0x7c: {  	[spmem:s1] =	stream.indirect.scatter.add.f32 [tilespmem:s10], [sflag:$0x1], $0x8, s20, s13, $0xb8;
	[tilespmem:$0x4000] =	vst v63  }
0x7d: {  	s20 =	sadd.s32 $0x400, s19  }
0x7e: {  	[spmem:s1] =	stream.indirect.scatter.add.f32 [tilespmem:s10], [sflag:$0x1], $0x8, s20, s13, $0xb8;
	[tilespmem:$0x4000] =	vst v63  }
0x7f: {  	s20 =	sadd.s32 $0x480, s19  }
0x80: {  	[spmem:s1] =	stream.indirect.scatter.add.f32 [tilespmem:s10], [sflag:$0x1], $0x8, s20, s13, $0xb8;
	[tilespmem:$0x4000] =	vst v63  }
0x81: {  	s20 =	sadd.s32 $0x500, s19  }
0x82: {  	[spmem:s1] =	stream.indirect.scatter.add.f32 [tilespmem:s10], [sflag:$0x1], $0x8, s20, s13, $0xb8;
	[tilespmem:$0x4000] =	vst v63  }
0x83: {  	s20 =	sadd.s32 $0x580, s19  }
0x84: {  	[spmem:s1] =	stream.indirect.scatter.add.f32 [tilespmem:s10], [sflag:$0x1], $0x8, s20, s13, $0xb8;
	[tilespmem:$0x4000] =	vst v63  }
0x85: {  	s20 =	sadd.s32 $0x600, s19  }
0x86: {  	[spmem:s1] =	stream.indirect.scatter.add.f32 [tilespmem:s10], [sflag:$0x1], $0x8, s20, s13, $0xb8;
	[tilespmem:$0x4000] =	vst v63  }
0x87: {  	s20 =	sadd.s32 $0x680, s19  }
0x88: {  	[spmem:s1] =	stream.indirect.scatter.add.f32 [tilespmem:s10], [sflag:$0x1], $0x8, s20, s13, $0xb8;
	[tilespmem:$0x4000] =	vst v63  }
0x89: {  	s20 =	sadd.s32 $0x700, s19  }
0x8a: {  	[spmem:s1] =	stream.indirect.scatter.add.f32 [tilespmem:s10], [sflag:$0x1], $0x8, s20, s13, $0xb8;
	[tilespmem:$0x4000] =	vst v63  }
0x8b: {  	s19 =	sadd.s32 $0x780, s19  }
0x8c: {  	[spmem:s1] =	stream.indirect.scatter.add.f32 [tilespmem:s10], [sflag:$0x1], $0x8, s19, s13, $0xb8;
	[tilespmem:$0x4000] =	vst v63  }
0x8d: {  	_ =	swait.ge [sflag:s14], $0x400  }
0x8e: {  	[sflag:s14] =	ssyncset.done $0x0  }
0x8f: {  	[sflag:s14] =	ssyncadd.s32 $0xFFFFFC00  }
0x90: {  	_ =	swait.ge [sflag:s14], $0x400  }
0x91: {  	[sflag:s14] =	ssyncset.done $0x0  }
0x92: {  	[sflag:s14] =	ssyncadd.s32 $0xFFFFFC00  }
0x93: {  	_ =	swait.ge [sflag:s14], $0x400  }
0x94: {  	[sflag:s14] =	ssyncset.done $0x0  }
0x95: {  	[sflag:s14] =	ssyncadd.s32 $0xFFFFFC00  }
0x96: {  	_ =	swait.ge [sflag:s14], $0x400  }
0x97: {  	[sflag:s14] =	ssyncset.done $0x0  }
0x98: {  	[sflag:s14] =	ssyncadd.s32 $0xFFFFFC00  }
0x99: {  	_ =	swait.ge [sflag:s14], $0x400  }
0x9a: {  	[sflag:s14] =	ssyncset.done $0x0  }
0x9b: {  	[sflag:s14] =	ssyncadd.s32 $0xFFFFFC00  }
0x9c: {  	_ =	swait.ge [sflag:s14], $0x400  }
0x9d: {  	[sflag:s14] =	ssyncset.done $0x0  }
0x9e: {  	[sflag:s14] =	ssyncadd.s32 $0xFFFFFC00  }
0x9f: {  	_ =	swait.ge [sflag:s14], $0x400  }
0xa0: {  	[sflag:s14] =	ssyncset.done $0x0  }
0xa1: {  	[sflag:s14] =	ssyncadd.s32 $0xFFFFFC00  }
0xa2: {  	_ =	swait.ge [sflag:s14], $0x400  }
0xa3: {  	[sflag:s14] =	ssyncset.done $0x0  }
0xa4: {  	[sflag:s14] =	ssyncadd.s32 $0xFFFFFC00  }
0xa5: {  	_ =	swait.ge [sflag:s14], $0x400  }
0xa6: {  	[sflag:s14] =	ssyncset.done $0x0  }
0xa7: {  	[sflag:s14] =	ssyncadd.s32 $0xFFFFFC00  }
0xa8: {  	_ =	swait.ge [sflag:s14], $0x400  }
0xa9: {  	[sflag:s14] =	ssyncset.done $0x0  }
0xaa: {  	[sflag:s14] =	ssyncadd.s32 $0xFFFFFC00  }
0xab: {  	_ =	swait.ge [sflag:s14], $0x400  }
0xac: {  	[sflag:s14] =	ssyncset.done $0x0  }
0xad: {  	[sflag:s14] =	ssyncadd.s32 $0xFFFFFC00  }
0xae: {  	_ =	swait.ge [sflag:s14], $0x400  }
0xaf: {  	[sflag:s14] =	ssyncset.done $0x0  }
0xb0: {  	[sflag:s14] =	ssyncadd.s32 $0xFFFFFC00  }
0xb1: {  	_ =	swait.ge [sflag:s14], $0x400  }
0xb2: {  	[sflag:s14] =	ssyncset.done $0x0  }
0xb3: {  	[sflag:s14] =	ssyncadd.s32 $0xFFFFFC00  }
0xb4: {  	_ =	swait.ge [sflag:s14], $0x400  }
0xb5: {  	[sflag:s14] =	ssyncset.done $0x0  }
0xb6: {  	[sflag:s14] =	ssyncadd.s32 $0xFFFFFC00  }
.Ltmp0:
0xb7: {  	_ =	swait.ge [sflag:s14], $0x400;
	(pc) =	sbr.rel @p0 .LBB2_2-.Ltmp0, $4  }
0xb8: {  	[sflag:s14] =	ssyncset.done $0x0  }
0xb9: {  	[sflag:s14] =	ssyncadd.s32 $0xFFFFFC00  }
0xba: {  	_ =	swait.ge [sflag:s14], $0x400  }
0xbb: {  	s20 =	smov.u32 s18;
	[sflag:s14] =	ssyncset.done $0x0  }
0xbc: {  	s17 =	sshra.s32 s17, $0x2;
	[sflag:s14] =	ssyncadd.s32 $0xFFFFFC00  }
0xbd: {  	[spmem:s1] =	stream.indirect.scatter.add.f32 [tilespmem:s10], [sflag:$0x1], $0x8, s17, s13, $0xb8;
	[tilespmem:$0x4000] =	vst v63  }
0xbe: {  	s18 =	sadd.s32 $0x80, s17  }
0xbf: {  	[spmem:s1] =	stream.indirect.scatter.add.f32 [tilespmem:s10], [sflag:$0x1], $0x8, s18, s13, $0xb8;
	[tilespmem:$0x4000] =	vst v63  }
0xc0: {  	s31 =	sadd.s32 $0x100, s17  }
0xc1: {  	[spmem:s1] =	stream.indirect.scatter.add.f32 [tilespmem:s10], [sflag:$0x1], $0x8, s31, s13, $0xb8;
	[tilespmem:$0x4000] =	vst v63  }
0xc2: {  	s19 =	sadd.s32 $0x180, s17  }
0xc3: {  	[spmem:s1] =	stream.indirect.scatter.add.f32 [tilespmem:s10], [sflag:$0x1], $0x8, s19, s13, $0xb8;
	[tilespmem:$0x4000] =	vst v63  }
0xc4: {  	s20 =	sadd.s32 $0x200, s17  }
0xc5: {  	[spmem:s1] =	stream.indirect.scatter.add.f32 [tilespmem:s10], [sflag:$0x1], $0x8, s20, s13, $0xb8;
	[tilespmem:$0x4000] =	vst v63  }
0xc6: {  	s21 =	sadd.s32 $0x280, s17  }
0xc7: {  	[spmem:s1] =	stream.indirect.scatter.add.f32 [tilespmem:s10], [sflag:$0x1], $0x8, s21, s13, $0xb8;
	[tilespmem:$0x4000] =	vst v63  }
0xc8: {  	s22 =	sadd.s32 $0x300, s17  }
0xc9: {  	[spmem:s1] =	stream.indirect.scatter.add.f32 [tilespmem:s10], [sflag:$0x1], $0x8, s22, s13, $0xb8;
	[tilespmem:$0x4000] =	vst v63  }
0xca: {  	s23 =	sadd.s32 $0x380, s17  }
0xcb: {  	[spmem:s1] =	stream.indirect.scatter.add.f32 [tilespmem:s10], [sflag:$0x1], $0x8, s23, s13, $0xb8;
	[tilespmem:$0x4000] =	vst v63  }
0xcc: {  	s24 =	sadd.s32 $0x400, s17  }
0xcd: {  	[spmem:s1] =	stream.indirect.scatter.add.f32 [tilespmem:s10], [sflag:$0x1], $0x8, s24, s13, $0xb8;
	[tilespmem:$0x4000] =	vst v63  }
0xce: {  	s25 =	sadd.s32 $0x480, s17  }
0xcf: {  	[spmem:s1] =	stream.indirect.scatter.add.f32 [tilespmem:s10], [sflag:$0x1], $0x8, s25, s13, $0xb8;
	[tilespmem:$0x4000] =	vst v63  }
0xd0: {  	s26 =	sadd.s32 $0x500, s17  }
0xd1: {  	[spmem:s1] =	stream.indirect.scatter.add.f32 [tilespmem:s10], [sflag:$0x1], $0x8, s26, s13, $0xb8;
	[tilespmem:$0x4000] =	vst v63  }
0xd2: {  	s28 =	sadd.s32 $0x580, s17  }
0xd3: {  	[spmem:s1] =	stream.indirect.scatter.add.f32 [tilespmem:s10], [sflag:$0x1], $0x8, s28, s13, $0xb8;
	[tilespmem:$0x4000] =	vst v63  }
0xd4: {  	s29 =	sadd.s32 $0x600, s17  }
0xd5: {  	[spmem:s1] =	stream.indirect.scatter.add.f32 [tilespmem:s10], [sflag:$0x1], $0x8, s29, s13, $0xb8;
	[tilespmem:$0x4000] =	vst v63  }
0xd6: {  	s30 =	sadd.s32 $0x680, s17  }
0xd7: {  	[spmem:s1] =	stream.indirect.scatter.add.f32 [tilespmem:s10], [sflag:$0x1], $0x8, s30, s13, $0xb8;
	[tilespmem:$0x4000] =	vst v63  }
0xd8: {  	s31 =	sadd.s32 $0x700, s17  }
0xd9: {  	[spmem:s1] =	stream.indirect.scatter.add.f32 [tilespmem:s10], [sflag:$0x1], $0x8, s31, s13, $0xb8;
	[tilespmem:$0x4000] =	vst v63  }
0xda: {  	s17 =	sadd.s32 $0x780, s17  }
0xdb: {  	[spmem:s1] =	stream.indirect.scatter.add.f32 [tilespmem:s10], [sflag:$0x1], $0x8, s17, s13, $0xb8;
	[tilespmem:$0x4000] =	vst v63  }
0xdc: {  	_ =	swait.ge [sflag:s14], $0x400  }
0xdd: {  	[sflag:s14] =	ssyncset.done $0x0  }
0xde: {  	[sflag:s14] =	ssyncadd.s32 $0xFFFFFC00  }
0xdf: {  	_ =	swait.ge [sflag:s14], $0x400  }
0xe0: {  	[sflag:s14] =	ssyncset.done $0x0  }
0xe1: {  	[sflag:s14] =	ssyncadd.s32 $0xFFFFFC00  }
0xe2: {  	_ =	swait.ge [sflag:s14], $0x400  }
0xe3: {  	[sflag:s14] =	ssyncset.done $0x0  }
0xe4: {  	[sflag:s14] =	ssyncadd.s32 $0xFFFFFC00  }
0xe5: {  	_ =	swait.ge [sflag:s14], $0x400  }
0xe6: {  	[sflag:s14] =	ssyncset.done $0x0  }
0xe7: {  	[sflag:s14] =	ssyncadd.s32 $0xFFFFFC00  }
0xe8: {  	_ =	swait.ge [sflag:s14], $0x400  }
0xe9: {  	[sflag:s14] =	ssyncset.done $0x0  }
0xea: {  	[sflag:s14] =	ssyncadd.s32 $0xFFFFFC00  }
0xeb: {  	_ =	swait.ge [sflag:s14], $0x400  }
0xec: {  	[sflag:s14] =	ssyncset.done $0x0  }
0xed: {  	[sflag:s14] =	ssyncadd.s32 $0xFFFFFC00  }
0xee: {  	_ =	swait.ge [sflag:s14], $0x400  }
0xef: {  	[sflag:s14] =	ssyncset.done $0x0  }
0xf0: {  	[sflag:s14] =	ssyncadd.s32 $0xFFFFFC00  }
0xf1: {  	_ =	swait.ge [sflag:s14], $0x400  }
0xf2: {  	[sflag:s14] =	ssyncset.done $0x0  }
0xf3: {  	[sflag:s14] =	ssyncadd.s32 $0xFFFFFC00  }
0xf4: {  	_ =	swait.ge [sflag:s14], $0x400  }
0xf5: {  	[sflag:s14] =	ssyncset.done $0x0  }
0xf6: {  	[sflag:s14] =	ssyncadd.s32 $0xFFFFFC00  }
0xf7: {  	_ =	swait.ge [sflag:s14], $0x400  }
0xf8: {  	[sflag:s14] =	ssyncset.done $0x0  }
0xf9: {  	[sflag:s14] =	ssyncadd.s32 $0xFFFFFC00  }
0xfa: {  	_ =	swait.ge [sflag:s14], $0x400  }
0xfb: {  	[sflag:s14] =	ssyncset.done $0x0  }
0xfc: {  	[sflag:s14] =	ssyncadd.s32 $0xFFFFFC00  }
0xfd: {  	_ =	swait.ge [sflag:s14], $0x400  }
0xfe: {  	[sflag:s14] =	ssyncset.done $0x0  }
0xff: {  	[sflag:s14] =	ssyncadd.s32 $0xFFFFFC00  }
0x100: {  	_ =	swait.ge [sflag:s14], $0x400  }
0x101: {  	[sflag:s14] =	ssyncset.done $0x0  }
0x102: {  	[sflag:s14] =	ssyncadd.s32 $0xFFFFFC00  }
0x103: {  	_ =	swait.ge [sflag:s14], $0x400  }
0x104: {  	[sflag:s14] =	ssyncset.done $0x0  }
0x105: {  	[sflag:s14] =	ssyncadd.s32 $0xFFFFFC00  }
0x106: {  	_ =	swait.ge [sflag:s14], $0x400  }
0x107: {  	[sflag:s14] =	ssyncset.done $0x0  }
0x108: {  	[sflag:s14] =	ssyncadd.s32 $0xFFFFFC00  }
0x109: {  	_ =	swait.ge [sflag:s14], $0x400  }
0x10a: {  	s16 =	sadd.s32 $0x1, s16;
	[sflag:s14] =	ssyncset.done $0x0  }
0x10b: {  	p0 =	sne.s32 s16, s8;
	[sflag:s14] =	ssyncadd.s32 $0xFFFFFC00  }
.Ltmp1:
0x10c: {  	[bflag:$0x0] =	sbarrier.arrive $0xFFFF;
	(pc) =	sbr.rel @p0 .LBB2_1-.Ltmp1, $4  }
0x10d: {  	[hbm:s7@s15], [sflag:s11] =	dma.strided [spmem:s12@s14], $0x280, s14, $0x1   }
0x10e: {  	_ =	swait.ge [sflag:s9], $0x280  }
0x10f: {  	[sflag:s9] =	ssyncset.done $0x0  }
0x110: {  	[sflag:s9] =	ssyncadd.s32 $0xFFFFFD80  }
0x111: {  	_ =	sfence.sel $0x180000  }
0x112: {  	[bflag:$0x0] =	sbarrier.arrive $0xFFFF  }
0x113: {  	p0 =	sne.s32 s2, $0x0;
	_ =	strace $0x90000047  }
0x114: {  	s0 =	sadd.s32 @!p0 $0x100000, s0;
	[bflag:$0x2] =	sbarrier.arrive $0xFFFF  }
0x115: {  	[sflag:s0] =	ssyncadd.tile.s32 @!p0 $0x1;
	_ =	shalt  }
.Lfunc_end2:
_tile_overlayer_lowered:
.L_overlay_start_2:
0x116: {  	(tag) =	ssettag $0x2  }
0x117: {  	s0 =	rddreg [dreg:$0x0];
	s2 =	stileid.u32  }
0x118: {  	s1 =	rddreg [dreg:$0x1];
	p0 =	sne.s32 s2, $0x0  }
0x119: {  	s3 =	rddreg [dreg:$0x2];
	[bflag:$0x3] =	sbarrier.arrive $0xFFFF;
	s2 =	simm.s32 @!p0 $0x1C02  }
0x11a: {  	[timem:s3], [sflag:s2] =	dma.local @!p0 [hbm:s0], s1  }
0x11b: {  	s0 =	simm.s32 @!p0 $0x2  }
0x11c: {  	_ =	swait.ge @!p0 [sflag:s0], s1  }
0x11d: {  	s1 =	ssub.s32 @!p0 $0x0, s1;
	[sflag:s0] =	ssyncset.done @!p0 $0x0  }
0x11e: {  	[sflag:s0] =	ssyncadd.s32 @!p0 s1  }
0x11f: {  	[bflag:$0x3] =	sbarrier.arrive $0xFFFF  }
0x120: {  	_ =	shalt  }

</sc_bundles>
